<compile_context>
chip_gen: v7x
topology: tpu7x:2x2x1
jax: 0.10.2.dev20260603
libtpu: 0.0.44.dev20260713+nightly
codegen_flags: <defaults>
</compile_context>

<pallas_src>
import functools

import jax
import jax.numpy as jnp
from jax import lax
from jax.experimental import pallas as pl
from jax.experimental.pallas import tpu as pltpu
from jax.experimental.pallas import tpu_sc as plsc

N = 10000
E = 320000
D = 128
NUM_EMB = 100000

NC = 2
NS = 16
NW = NC * NS

G = 128
NP = 10240
ROWS_PER_TILE = NP // NS
GROUPS = 80
EP = NW * GROUPS * G
EROWS = EP // G
NPE = 10240
EMB_PER_TILE = NPE // NW
EMB_CHUNKS = ((0, 128), (128, 128), (256, 64))


def _mm_body(x_ref, w_ref, o_ref):
    o_ref[...] = jnp.dot(x_ref[...], w_ref[...],
                         preferred_element_type=jnp.float32)


def _sc_body(xw, src1, dst1, nidx1, embed,
             accp, degp, embg,
             acc_sh, sring, dring, nbuf, rows2, deg_l, semg, sems, semi):
    c = lax.axis_index("c")
    s = lax.axis_index("s")
    w = s * NC + c
    ebase = w * GROUPS * G

    zeros16 = jnp.zeros((16,), jnp.float32)
    ones16 = jnp.ones((16,), jnp.float32)

    pltpu.sync_copy(nidx1.at[pl.ds(w * EMB_PER_TILE, EMB_PER_TILE)], nbuf)

    def _zdeg(i, carry):
        deg_l[pl.ds(i * 16, 16)] = zeros16
        return carry
    lax.fori_loop(0, NP // 16, _zdeg, 0)

    def _zrow(i, carry):
        for j in range(D // 16):
            rows2[0, i, pl.ds(j * 16, 16)] = zeros16
        return carry
    lax.fori_loop(0, G, _zrow, 0)
    for k in range(ROWS_PER_TILE // G):
        pltpu.sync_copy(rows2.at[0],
                        acc_sh.at[pl.ds(s * ROWS_PER_TILE + k * G, G)])

    def idx_load(g, r):
        pltpu.async_copy(src1.at[pl.ds(ebase + g * G, G)], sring.at[r], semi)
        pltpu.async_copy(dst1.at[pl.ds(ebase + g * G, G)], dring.at[r], semi)

    def idx_wait(g, r):
        pltpu.make_async_copy(
            src1.at[pl.ds(ebase + g * G, G)], sring.at[r], semi).wait()
        pltpu.make_async_copy(
            dst1.at[pl.ds(ebase + g * G, G)], dring.at[r], semi).wait()

    idx_load(0, 0)
    idx_wait(0, 0)
    idx_load(1, 1)
    pltpu.async_copy(xw.at[sring.at[0]], rows2.at[0], semg)

    plsc.subcore_barrier()

    def _edge(g, carry):
        b = lax.rem(g, 2)
        r = lax.rem(g, 4)
        r1 = lax.rem(g + 1, 4)
        r2 = lax.rem(g + 2, 4)

        pltpu.make_async_copy(xw.at[sring.at[r]], rows2.at[b], semg).wait()

        @pl.when(g >= 1)
        def _():
            pltpu.make_async_copy(
                rows2.at[1 - b], acc_sh.at[dring.at[r]], sems).wait()

        @pl.when(g + 1 < GROUPS)
        def _():
            idx_wait(g + 1, r1)
            pltpu.async_copy(xw.at[sring.at[r1]], rows2.at[1 - b], semg)

        @pl.when(g + 2 < GROUPS)
        def _():
            idx_load(g + 2, r2)

        pltpu.async_copy(rows2.at[b], acc_sh.at[dring.at[r]], sems, add=True)

        for k in range(G // 16):
            dv = dring[r, pl.ds(k * 16, 16)]
            plsc.addupdate_scatter(deg_l, [dv], ones16)
        return carry

    lax.fori_loop(0, GROUPS, _edge, 0)
    pltpu.make_async_copy(
        rows2.at[1], acc_sh.at[dring.at[3]], sems).wait()

    plsc.subcore_barrier()

    for off, cnt in EMB_CHUNKS:
        pltpu.async_copy(embed.at[nbuf.at[pl.ds(off, cnt)]],
                         rows2.at[0, pl.ds(0, cnt)], semg).wait()
        pltpu.sync_copy(rows2.at[0, pl.ds(0, cnt)],
                        embg.at[pl.ds(w * EMB_PER_TILE + off, cnt)])

    pltpu.sync_copy(acc_sh.at[pl.ds(s * ROWS_PER_TILE, ROWS_PER_TILE)],
                    accp.at[c, pl.ds(s * ROWS_PER_TILE, ROWS_PER_TILE)])
    pltpu.sync_copy(deg_l, degp.at[w])


def _comb_body(a0_ref, a1_ref, deg_ref, emb_ref, o_ref):
    h = a0_ref[0] + a1_ref[0]
    deg = jnp.sum(deg_ref[...], axis=0)
    h = h / jnp.maximum(deg, 1.0)[:, None]
    o_ref[:, 0, :] = emb_ref[...]
    o_ref[:, 1, :] = h


def kernel(x, edge_index, node_idx, W, embed):
    xw2 = pl.pallas_call(
        _mm_body,
        grid=(NC,),
        in_specs=[
            pl.BlockSpec((N, D), lambda i: (0, 0)),
            pl.BlockSpec((D, D), lambda i: (0, 0)),
        ],
        out_specs=pl.BlockSpec((N, D), lambda i: (i, 0)),
        out_shape=jax.ShapeDtypeStruct((NC * N, D), jnp.float32),
    )(x, W)

    src = edge_index[0]
    dst = edge_index[1]
    core_of_edge = (jnp.arange(EP, dtype=jnp.int32) // (GROUPS * G)) % NC
    src1 = (jnp.concatenate([src, jnp.zeros((EP - E,), jnp.int32)])
            + core_of_edge * N)
    dst1 = jnp.concatenate([dst, jnp.full((EP - E,), N, jnp.int32)])
    nidx1 = jnp.concatenate(
        [node_idx, jnp.zeros((NPE - N,), jnp.int32)])

    sc = pl.kernel(
        _sc_body,
        out_type=[
            jax.ShapeDtypeStruct((NC, NP, D), jnp.float32),
            jax.ShapeDtypeStruct((NW, NP), jnp.float32),
            jax.ShapeDtypeStruct((NPE, D), jnp.float32),
        ],
        mesh=plsc.VectorSubcoreMesh(core_axis_name="c", subcore_axis_name="s"),
        compiler_params=pltpu.CompilerParams(needs_layout_passes=False),
        scratch_types=[
            pltpu.VMEM_SHARED((NP, D), jnp.float32),
            pltpu.VMEM((4, G), jnp.int32),
            pltpu.VMEM((4, G), jnp.int32),
            pltpu.VMEM((EMB_PER_TILE,), jnp.int32),
            pltpu.VMEM((2, G, D), jnp.float32),
            pltpu.VMEM((NP,), jnp.float32),
            pltpu.SemaphoreType.DMA,
            pltpu.SemaphoreType.DMA,
            pltpu.SemaphoreType.DMA,
        ],
    )
    accp, degp, embg = sc(xw2, src1, dst1, nidx1, embed)

    BLK = 1024
    out = pl.pallas_call(
        _comb_body,
        grid=(NP // BLK,),
        in_specs=[
            pl.BlockSpec((1, BLK, D), lambda i: (0, i, 0)),
            pl.BlockSpec((1, BLK, D), lambda i: (1, i, 0)),
            pl.BlockSpec((NW, BLK), lambda i: (0, i)),
            pl.BlockSpec((BLK, D), lambda i: (i, 0)),
        ],
        out_specs=pl.BlockSpec((BLK, 2, D), lambda i: (i, 0, 0)),
        out_shape=jax.ShapeDtypeStruct((NP, 2, D), jnp.float32),
    )(accp, accp, degp, embg)

    return out[:N]

# --- scband reference (transcript-rebuilt; emitter-appended) ---
"""Pipeline reference for scband-rgcnlayer-45732811768293 (READ-ONLY COPY).

The authoritative reference and input builder live on the scoring server;
editing this copy changes nothing except your own understanding.
"""

import jax, jax.numpy as jnp
import numpy as np

N_NODES = 10000
N_EDGES = 320000
D = 128
NUM_EMB = 100000


def setup_inputs(seed: int = 0) -> dict:
    key = jax.random.key(seed)
    k1, k2, k3, k4, k5 = jax.random.split(key, 5)
    x = jax.random.normal(k1, (N_NODES, D), dtype=jnp.float32)
    edge_index = jax.random.randint(k2, (2, N_EDGES), 0, N_NODES, dtype=jnp.int32)
    node_idx = jax.random.randint(k3, (N_NODES,), 0, NUM_EMB, dtype=jnp.int32)
    # learned parameters
    W = jax.random.normal(k4, (D, D), dtype=jnp.float32) * (1.0 / np.sqrt(D))
    embed = jax.random.normal(k5, (NUM_EMB, D), dtype=jnp.float32) * 0.05  # transE embedding table
    return {"x": x, "edge_index": edge_index, "node_idx": node_idx, "W": W, "embed": embed}


def reference(x, edge_index, node_idx, W, embed):
    # propagate (sum aggregator RGCN-style): transform node features once, then
    # gather messages along edges and scatter-add to destination nodes.
    xw = x @ W                                   # [N, D] dense transform
    src = edge_index[0]
    dst = edge_index[1]
    msg = jnp.take(xw, src, axis=0)              # gather  [E, D]
    h = jax.ops.segment_sum(msg, dst, num_segments=N_NODES)  # scatter-add [N, D]
    deg = jax.ops.segment_sum(jnp.ones((msg.shape[0],), dtype=x.dtype), dst, num_segments=N_NODES)
    h = h / jnp.maximum(deg, 1.0)[:, None]       # degree normalization
    node_repr = h
    # bias=None, activation=None, dropout=None -> identity
    # is_input_layer and add_transe_emb: concat transE embedding lookup with h
    xcat = jnp.concatenate([jnp.take(embed, node_idx, axis=0), node_repr], axis=1)  # [N, 2D]
    node_repr_out = xcat.reshape(-1, 2, D)       # g.ndata['repr'] : [N, 2, D]
    return node_repr_out

if __name__ == "__main__":
    import jax
    _d = setup_inputs()
    print(jax.jit(kernel)(*tuple(_d.values())))

</pallas_src>

<mosaic_0001>
#map = affine_map<(d0, d1) -> (0, 0)>
#map1 = affine_map<(d0, d1) -> (0)>
#map2 = affine_map<(d0, d1) -> (0, 0, 0)>
module attributes {stable_mosaic.version = 14 : i64} {
  func.func @_sc_body(%arg0: i32, %arg1: i32, %arg2: memref<20000x128xf32, #tpu.memory_space<hbm>>, %arg3: memref<327680xi32, #tpu.memory_space<hbm>>, %arg4: memref<327680xi32, #tpu.memory_space<hbm>>, %arg5: memref<10240xi32, #tpu.memory_space<hbm>>, %arg6: memref<100000x128xf32, #tpu.memory_space<hbm>>, %arg7: memref<2x10240x128xf32, #tpu.memory_space<hbm>>, %arg8: memref<32x10240xf32, #tpu.memory_space<hbm>>, %arg9: memref<10240x128xf32, #tpu.memory_space<hbm>>, %arg10: memref<10240x128xf32, #tpu.memory_space<vmem_shared>>, %arg11: memref<4x128xi32, #tpu.memory_space<vmem>>, %arg12: memref<4x128xi32, #tpu.memory_space<vmem>>, %arg13: memref<320xi32, #tpu.memory_space<vmem>>, %arg14: memref<2x128x128xf32, #tpu.memory_space<vmem>>, %arg15: memref<10240xf32, #tpu.memory_space<vmem>>, %arg16: memref<!tpu.dma_semaphore, #tpu.memory_space<semaphore_mem>>, %arg17: memref<!tpu.dma_semaphore, #tpu.memory_space<semaphore_mem>>, %arg18: memref<!tpu.dma_semaphore, #tpu.memory_space<semaphore_mem>>) attributes {dimension_semantics = [#tpu.dimension_semantics<core_parallel>, #tpu.dimension_semantics<subcore_parallel>], iteration_bounds = array<i64: 2, 16>, scalar_prefetch = 0 : i64, scratch_operands = 9 : i64, tpu.core_type = #tpu.core_type<sc_vector_subcore>, window_params = [{transform_indices = #map}, {transform_indices = #map1}, {transform_indices = #map1}, {transform_indices = #map1}, {transform_indices = #map}, {transform_indices = #map2}, {transform_indices = #map}, {transform_indices = #map}]} {
    %mul3A = arith.constant 2 : i32
    %mul3A_0 = arith.muli %arg1, %mul3A : i32
    %add3A = arith.addi %mul3A_0, %arg0 : i32
    %mul3A_1 = arith.constant 80 : i32
    %mul3A_2 = arith.muli %add3A, %mul3A_1 : i32
    %mul3A_3 = arith.constant 128 : i32
    %mul3A_4 = arith.muli %mul3A_2, %mul3A_3 : i32
    %broadcast_in_dim3A = arith.constant 0.000000e+00 : f32
    %broadcast_in_dim3A_5 = vector.broadcast %broadcast_in_dim3A : f32 to vector<16xf32>
    %broadcast_in_dim3A_6 = arith.constant 1.000000e+00 : f32
    %broadcast_in_dim3A_7 = vector.broadcast %broadcast_in_dim3A_6 : f32 to vector<16xf32>
    %mul3A_8 = arith.constant 320 : i32
    %mul3A_9 = arith.muli %add3A, %mul3A_8 : i32
    "tpu.region"() ({
      %run_scoped3A_219 = tpu.sem_alloc : memref<!tpu.dma_semaphore, #tpu.memory_space<semaphore_mem>>
      %dma_start3A_220 = tpu.memref_slice %arg5[%mul3A_9] : memref<10240xi32, #tpu.memory_space<hbm>> -> memref<320xi32, #tpu.memory_space<hbm>>
      %dma_start3A_221 = tpu.memref_slice %arg5[%mul3A_9] : memref<10240xi32, #tpu.memory_space<hbm>> -> memref<320xi32, #tpu.memory_space<hbm>>
      tpu.enqueue_dma source(%dma_start3A_221 : memref<320xi32, #tpu.memory_space<hbm>>) target(%arg13 : memref<320xi32, #tpu.memory_space<vmem>>) target_semaphore(%run_scoped3A_219 : memref<!tpu.dma_semaphore, #tpu.memory_space<semaphore_mem>>)
      %dma_wait3A_222 = tpu.memref_slice %arg5[%mul3A_9] : memref<10240xi32, #tpu.memory_space<hbm>> -> memref<320xi32, #tpu.memory_space<hbm>>
      %dma_wait3A_223 = tpu.memref_slice %arg5[%mul3A_9] : memref<10240xi32, #tpu.memory_space<hbm>> -> memref<320xi32, #tpu.memory_space<hbm>>
      tpu.wait_dma2 semaphore(%run_scoped3A_219 : memref<!tpu.dma_semaphore, #tpu.memory_space<semaphore_mem>>) src(%dma_wait3A_223 : memref<320xi32, #tpu.memory_space<hbm>>) dst(%arg13 : memref<320xi32, #tpu.memory_space<vmem>>)
      tpu.yield
    }) : () -> ()
    %scan3A = arith.constant 0 : i32
    %scan3A_10 = arith.constant 0 : i32
    %scan3A_11 = arith.constant 640 : i32
    %scan3A_12 = arith.addi %scan3A_10, %scan3A_11 : i32
    %scan3A_13 = arith.constant 1 : i32
    scf.for %scan3A_219 = %scan3A_10 to %scan3A_12 step %scan3A_13  : i32 {
      %mul3A_220 = arith.constant 16 : i32
      %mul3A_221 = arith.muli %scan3A_219, %mul3A_220 : i32
      %swap3A = arith.index_cast %mul3A_221 : i32 to index
      %swap3A_222 = tpu.vector_load %arg15[%swap3A] {strides = array<i32>} : memref<10240xf32, #tpu.memory_space<vmem>>, vector<16xf32>,
      tpu.vector_store %arg15[%swap3A], %broadcast_in_dim3A_5 {strides = array<i32>} : memref<10240xf32, #tpu.memory_space<vmem>>, vector<16xf32>,
    }
    %scan3A_14 = arith.constant 640 : i32
    %scan3A_15 = arith.constant 0 : i32
    %scan3A_16 = arith.constant 0 : i32
    %scan3A_17 = arith.constant 128 : i32
    %scan3A_18 = arith.addi %scan3A_16, %scan3A_17 : i32
    %scan3A_19 = arith.constant 1 : i32
    scf.for %scan3A_219 = %scan3A_16 to %scan3A_18 step %scan3A_19  : i32 {
      %swap3A = arith.constant 0 : i32
      %swap3A_220 = arith.index_cast %swap3A : i32 to index
      %swap3A_221 = arith.index_cast %scan3A_219 : i32 to index
      %swap3A_222 = arith.constant 0 : index
      %swap3A_223 = tpu.vector_load %arg14[%swap3A_220, %swap3A_221, %swap3A_222] {strides = array<i32>} : memref<2x128x128xf32, #tpu.memory_space<vmem>>, vector<16xf32>,
      tpu.vector_store %arg14[%swap3A_220, %swap3A_221, %swap3A_222], %broadcast_in_dim3A_5 {strides = array<i32>} : memref<2x128x128xf32, #tpu.memory_space<vmem>>, vector<16xf32>,
      %swap3A_224 = arith.constant 0 : i32
      %swap3A_225 = arith.index_cast %swap3A_224 : i32 to index
      %swap3A_226 = arith.index_cast %scan3A_219 : i32 to index
      %swap3A_227 = arith.constant 16 : index
      %swap3A_228 = tpu.vector_load %arg14[%swap3A_225, %swap3A_226, %swap3A_227] {strides = array<i32>} : memref<2x128x128xf32, #tpu.memory_space<vmem>>, vector<16xf32>,
      tpu.vector_store %arg14[%swap3A_225, %swap3A_226, %swap3A_227], %broadcast_in_dim3A_5 {strides = array<i32>} : memref<2x128x128xf32, #tpu.memory_space<vmem>>, vector<16xf32>,
      %swap3A_229 = arith.constant 0 : i32
      %swap3A_230 = arith.index_cast %swap3A_229 : i32 to index
      %swap3A_231 = arith.index_cast %scan3A_219 : i32 to index
      %swap3A_232 = arith.constant 32 : index
      %swap3A_233 = tpu.vector_load %arg14[%swap3A_230, %swap3A_231, %swap3A_232] {strides = array<i32>} : memref<2x128x128xf32, #tpu.memory_space<vmem>>, vector<16xf32>,
      tpu.vector_store %arg14[%swap3A_230, %swap3A_231, %swap3A_232], %broadcast_in_dim3A_5 {strides = array<i32>} : memref<2x128x128xf32, #tpu.memory_space<vmem>>, vector<16xf32>,
      %swap3A_234 = arith.constant 0 : i32
      %swap3A_235 = arith.index_cast %swap3A_234 : i32 to index
      %swap3A_236 = arith.index_cast %scan3A_219 : i32 to index
      %swap3A_237 = arith.constant 48 : index
      %swap3A_238 = tpu.vector_load %arg14[%swap3A_235, %swap3A_236, %swap3A_237] {strides = array<i32>} : memref<2x128x128xf32, #tpu.memory_space<vmem>>, vector<16xf32>,
      tpu.vector_store %arg14[%swap3A_235, %swap3A_236, %swap3A_237], %broadcast_in_dim3A_5 {strides = array<i32>} : memref<2x128x128xf32, #tpu.memory_space<vmem>>, vector<16xf32>,
      %swap3A_239 = arith.constant 0 : i32
      %swap3A_240 = arith.index_cast %swap3A_239 : i32 to index
      %swap3A_241 = arith.index_cast %scan3A_219 : i32 to index
      %swap3A_242 = arith.constant 64 : index
      %swap3A_243 = tpu.vector_load %arg14[%swap3A_240, %swap3A_241, %swap3A_242] {strides = array<i32>} : memref<2x128x128xf32, #tpu.memory_space<vmem>>, vector<16xf32>,
      tpu.vector_store %arg14[%swap3A_240, %swap3A_241, %swap3A_242], %broadcast_in_dim3A_5 {strides = array<i32>} : memref<2x128x128xf32, #tpu.memory_space<vmem>>, vector<16xf32>,
      %swap3A_244 = arith.constant 0 : i32
      %swap3A_245 = arith.index_cast %swap3A_244 : i32 to index
      %swap3A_246 = arith.index_cast %scan3A_219 : i32 to index
      %swap3A_247 = arith.constant 80 : index
      %swap3A_248 = tpu.vector_load %arg14[%swap3A_245, %swap3A_246, %swap3A_247] {strides = array<i32>} : memref<2x128x128xf32, #tpu.memory_space<vmem>>, vector<16xf32>,
      tpu.vector_store %arg14[%swap3A_245, %swap3A_246, %swap3A_247], %broadcast_in_dim3A_5 {strides = array<i32>} : memref<2x128x128xf32, #tpu.memory_space<vmem>>, vector<16xf32>,
      %swap3A_249 = arith.constant 0 : i32
      %swap3A_250 = arith.index_cast %swap3A_249 : i32 to index
      %swap3A_251 = arith.index_cast %scan3A_219 : i32 to index
      %swap3A_252 = arith.constant 96 : index
      %swap3A_253 = tpu.vector_load %arg14[%swap3A_250, %swap3A_251, %swap3A_252] {strides = array<i32>} : memref<2x128x128xf32, #tpu.memory_space<vmem>>, vector<16xf32>,
      tpu.vector_store %arg14[%swap3A_250, %swap3A_251, %swap3A_252], %broadcast_in_dim3A_5 {strides = array<i32>} : memref<2x128x128xf32, #tpu.memory_space<vmem>>, vector<16xf32>,
      %swap3A_254 = arith.constant 0 : i32
      %swap3A_255 = arith.index_cast %swap3A_254 : i32 to index
      %swap3A_256 = arith.index_cast %scan3A_219 : i32 to index
      %swap3A_257 = arith.constant 112 : index
      %swap3A_258 = tpu.vector_load %arg14[%swap3A_255, %swap3A_256, %swap3A_257] {strides = array<i32>} : memref<2x128x128xf32, #tpu.memory_space<vmem>>, vector<16xf32>,
      tpu.vector_store %arg14[%swap3A_255, %swap3A_256, %swap3A_257], %broadcast_in_dim3A_5 {strides = array<i32>} : memref<2x128x128xf32, #tpu.memory_space<vmem>>, vector<16xf32>,
    }
    %scan3A_20 = arith.constant 128 : i32
    %mul3A_21 = arith.constant 640 : i32
    %mul3A_22 = arith.muli %arg1, %mul3A_21 : i32
    %add3A_23 = arith.constant 0 : i32
    %add3A_24 = arith.addi %mul3A_22, %add3A_23 : i32
    %run_scoped3A = arith.constant 0 : i32
    "tpu.region"() ({
      %run_scoped3A_219 = tpu.sem_alloc : memref<!tpu.dma_semaphore, #tpu.memory_space<semaphore_mem>>
      %dma_start3A_220 = arith.constant 0 : i32
      %dma_start3A_221 = arith.constant 0 : i32
      %dma_start3A_222 = tpu.memref_slice %arg14[%run_scoped3A, %dma_start3A_220, %dma_start3A_221] : memref<2x128x128xf32, #tpu.memory_space<vmem>> -> memref<1x128x128xf32, #tpu.memory_space<vmem>>
      %dma_start3A_223 = tpu.memref_squeeze %dma_start3A_222 : memref<1x128x128xf32, #tpu.memory_space<vmem>> -> memref<128x128xf32, #tpu.memory_space<vmem>>
      %dma_start3A_224 = arith.constant 0 : i32
      %dma_start3A_225 = tpu.memref_slice %arg10[%add3A_24, %dma_start3A_224] : memref<10240x128xf32, #tpu.memory_space<vmem_shared>> -> memref<128x128xf32, #tpu.memory_space<vmem_shared>>
      %dma_start3A_226 = arith.constant 0 : i32
      %dma_start3A_227 = tpu.memref_slice %arg10[%add3A_24, %dma_start3A_226] : memref<10240x128xf32, #tpu.memory_space<vmem_shared>> -> memref<128x128xf32, #tpu.memory_space<vmem_shared>>
      %dma_start3A_228 = arith.constant 0 : i32
      %dma_start3A_229 = arith.constant 0 : i32
      %dma_start3A_230 = tpu.memref_slice %arg14[%run_scoped3A, %dma_start3A_228, %dma_start3A_229] : memref<2x128x128xf32, #tpu.memory_space<vmem>> -> memref<1x128x128xf32, #tpu.memory_space<vmem>>
      %dma_start3A_231 = tpu.memref_squeeze %dma_start3A_230 : memref<1x128x128xf32, #tpu.memory_space<vmem>> -> memref<128x128xf32, #tpu.memory_space<vmem>>
      tpu.enqueue_dma source(%dma_start3A_231 : memref<128x128xf32, #tpu.memory_space<vmem>>) target(%dma_start3A_227 : memref<128x128xf32, #tpu.memory_space<vmem_shared>>) target_semaphore(%run_scoped3A_219 : memref<!tpu.dma_semaphore, #tpu.memory_space<semaphore_mem>>)
      %dma_wait3A_232 = arith.constant 0 : i32
      %dma_wait3A_233 = arith.constant 0 : i32
      %dma_wait3A_234 = tpu.memref_slice %arg14[%run_scoped3A, %dma_wait3A_232, %dma_wait3A_233] : memref<2x128x128xf32, #tpu.memory_space<vmem>> -> memref<1x128x128xf32, #tpu.memory_space<vmem>>
      %dma_wait3A_235 = tpu.memref_squeeze %dma_wait3A_234 : memref<1x128x128xf32, #tpu.memory_space<vmem>> -> memref<128x128xf32, #tpu.memory_space<vmem>>
      %dma_wait3A_236 = arith.constant 0 : i32
      %dma_wait3A_237 = tpu.memref_slice %arg10[%add3A_24, %dma_wait3A_236] : memref<10240x128xf32, #tpu.memory_space<vmem_shared>> -> memref<128x128xf32, #tpu.memory_space<vmem_shared>>
      %dma_wait3A_238 = arith.constant 0 : i32
      %dma_wait3A_239 = tpu.memref_slice %arg10[%add3A_24, %dma_wait3A_238] : memref<10240x128xf32, #tpu.memory_space<vmem_shared>> -> memref<128x128xf32, #tpu.memory_space<vmem_shared>>
      %dma_wait3A_240 = arith.constant 0 : i32
      %dma_wait3A_241 = arith.constant 0 : i32
      %dma_wait3A_242 = tpu.memref_slice %arg14[%run_scoped3A, %dma_wait3A_240, %dma_wait3A_241] : memref<2x128x128xf32, #tpu.memory_space<vmem>> -> memref<1x128x128xf32, #tpu.memory_space<vmem>>
      %dma_wait3A_243 = tpu.memref_squeeze %dma_wait3A_242 : memref<1x128x128xf32, #tpu.memory_space<vmem>> -> memref<128x128xf32, #tpu.memory_space<vmem>>
      tpu.wait_dma2 semaphore(%run_scoped3A_219 : memref<!tpu.dma_semaphore, #tpu.memory_space<semaphore_mem>>) src(%dma_wait3A_243 : memref<128x128xf32, #tpu.memory_space<vmem>>) dst(%dma_wait3A_239 : memref<128x128xf32, #tpu.memory_space<vmem_shared>>)
      tpu.yield
    }) : () -> ()
    %mul3A_25 = arith.constant 640 : i32
    %mul3A_26 = arith.muli %arg1, %mul3A_25 : i32
    %add3A_27 = arith.constant 128 : i32
    %add3A_28 = arith.addi %mul3A_26, %add3A_27 : i32
    %run_scoped3A_29 = arith.constant 0 : i32
    "tpu.region"() ({
      %run_scoped3A_219 = tpu.sem_alloc : memref<!tpu.dma_semaphore, #tpu.memory_space<semaphore_mem>>
      %dma_start3A_220 = arith.constant 0 : i32
      %dma_start3A_221 = arith.constant 0 : i32
      %dma_start3A_222 = tpu.memref_slice %arg14[%run_scoped3A_29, %dma_start3A_220, %dma_start3A_221] : memref<2x128x128xf32, #tpu.memory_space<vmem>> -> memref<1x128x128xf32, #tpu.memory_space<vmem>>
      %dma_start3A_223 = tpu.memref_squeeze %dma_start3A_222 : memref<1x128x128xf32, #tpu.memory_space<vmem>> -> memref<128x128xf32, #tpu.memory_space<vmem>>
      %dma_start3A_224 = arith.constant 0 : i32
      %dma_start3A_225 = tpu.memref_slice %arg10[%add3A_28, %dma_start3A_224] : memref<10240x128xf32, #tpu.memory_space<vmem_shared>> -> memref<128x128xf32, #tpu.memory_space<vmem_shared>>
      %dma_start3A_226 = arith.constant 0 : i32
      %dma_start3A_227 = tpu.memref_slice %arg10[%add3A_28, %dma_start3A_226] : memref<10240x128xf32, #tpu.memory_space<vmem_shared>> -> memref<128x128xf32, #tpu.memory_space<vmem_shared>>
      %dma_start3A_228 = arith.constant 0 : i32
      %dma_start3A_229 = arith.constant 0 : i32
      %dma_start3A_230 = tpu.memref_slice %arg14[%run_scoped3A_29, %dma_start3A_228, %dma_start3A_229] : memref<2x128x128xf32, #tpu.memory_space<vmem>> -> memref<1x128x128xf32, #tpu.memory_space<vmem>>
      %dma_start3A_231 = tpu.memref_squeeze %dma_start3A_230 : memref<1x128x128xf32, #tpu.memory_space<vmem>> -> memref<128x128xf32, #tpu.memory_space<vmem>>
      tpu.enqueue_dma source(%dma_start3A_231 : memref<128x128xf32, #tpu.memory_space<vmem>>) target(%dma_start3A_227 : memref<128x128xf32, #tpu.memory_space<vmem_shared>>) target_semaphore(%run_scoped3A_219 : memref<!tpu.dma_semaphore, #tpu.memory_space<semaphore_mem>>)
      %dma_wait3A_232 = arith.constant 0 : i32
      %dma_wait3A_233 = arith.constant 0 : i32
      %dma_wait3A_234 = tpu.memref_slice %arg14[%run_scoped3A_29, %dma_wait3A_232, %dma_wait3A_233] : memref<2x128x128xf32, #tpu.memory_space<vmem>> -> memref<1x128x128xf32, #tpu.memory_space<vmem>>
      %dma_wait3A_235 = tpu.memref_squeeze %dma_wait3A_234 : memref<1x128x128xf32, #tpu.memory_space<vmem>> -> memref<128x128xf32, #tpu.memory_space<vmem>>
      %dma_wait3A_236 = arith.constant 0 : i32
      %dma_wait3A_237 = tpu.memref_slice %arg10[%add3A_28, %dma_wait3A_236] : memref<10240x128xf32, #tpu.memory_space<vmem_shared>> -> memref<128x128xf32, #tpu.memory_space<vmem_shared>>
      %dma_wait3A_238 = arith.constant 0 : i32
      %dma_wait3A_239 = tpu.memref_slice %arg10[%add3A_28, %dma_wait3A_238] : memref<10240x128xf32, #tpu.memory_space<vmem_shared>> -> memref<128x128xf32, #tpu.memory_space<vmem_shared>>
      %dma_wait3A_240 = arith.constant 0 : i32
      %dma_wait3A_241 = arith.constant 0 : i32
      %dma_wait3A_242 = tpu.memref_slice %arg14[%run_scoped3A_29, %dma_wait3A_240, %dma_wait3A_241] : memref<2x128x128xf32, #tpu.memory_space<vmem>> -> memref<1x128x128xf32, #tpu.memory_space<vmem>>
      %dma_wait3A_243 = tpu.memref_squeeze %dma_wait3A_242 : memref<1x128x128xf32, #tpu.memory_space<vmem>> -> memref<128x128xf32, #tpu.memory_space<vmem>>
      tpu.wait_dma2 semaphore(%run_scoped3A_219 : memref<!tpu.dma_semaphore, #tpu.memory_space<semaphore_mem>>) src(%dma_wait3A_243 : memref<128x128xf32, #tpu.memory_space<vmem>>) dst(%dma_wait3A_239 : memref<128x128xf32, #tpu.memory_space<vmem_shared>>)
      tpu.yield
    }) : () -> ()
    %mul3A_30 = arith.constant 640 : i32
    %mul3A_31 = arith.muli %arg1, %mul3A_30 : i32
    %add3A_32 = arith.constant 256 : i32
    %add3A_33 = arith.addi %mul3A_31, %add3A_32 : i32
    %run_scoped3A_34 = arith.constant 0 : i32
    "tpu.region"() ({
      %run_scoped3A_219 = tpu.sem_alloc : memref<!tpu.dma_semaphore, #tpu.memory_space<semaphore_mem>>
      %dma_start3A_220 = arith.constant 0 : i32
      %dma_start3A_221 = arith.constant 0 : i32
      %dma_start3A_222 = tpu.memref_slice %arg14[%run_scoped3A_34, %dma_start3A_220, %dma_start3A_221] : memref<2x128x128xf32, #tpu.memory_space<vmem>> -> memref<1x128x128xf32, #tpu.memory_space<vmem>>
      %dma_start3A_223 = tpu.memref_squeeze %dma_start3A_222 : memref<1x128x128xf32, #tpu.memory_space<vmem>> -> memref<128x128xf32, #tpu.memory_space<vmem>>
      %dma_start3A_224 = arith.constant 0 : i32
      %dma_start3A_225 = tpu.memref_slice %arg10[%add3A_33, %dma_start3A_224] : memref<10240x128xf32, #tpu.memory_space<vmem_shared>> -> memref<128x128xf32, #tpu.memory_space<vmem_shared>>
      %dma_start3A_226 = arith.constant 0 : i32
      %dma_start3A_227 = tpu.memref_slice %arg10[%add3A_33, %dma_start3A_226] : memref<10240x128xf32, #tpu.memory_space<vmem_shared>> -> memref<128x128xf32, #tpu.memory_space<vmem_shared>>
      %dma_start3A_228 = arith.constant 0 : i32
      %dma_start3A_229 = arith.constant 0 : i32
      %dma_start3A_230 = tpu.memref_slice %arg14[%run_scoped3A_34, %dma_start3A_228, %dma_start3A_229] : memref<2x128x128xf32, #tpu.memory_space<vmem>> -> memref<1x128x128xf32, #tpu.memory_space<vmem>>
      %dma_start3A_231 = tpu.memref_squeeze %dma_start3A_230 : memref<1x128x128xf32, #tpu.memory_space<vmem>> -> memref<128x128xf32, #tpu.memory_space<vmem>>
      tpu.enqueue_dma source(%dma_start3A_231 : memref<128x128xf32, #tpu.memory_space<vmem>>) target(%dma_start3A_227 : memref<128x128xf32, #tpu.memory_space<vmem_shared>>) target_semaphore(%run_scoped3A_219 : memref<!tpu.dma_semaphore, #tpu.memory_space<semaphore_mem>>)
      %dma_wait3A_232 = arith.constant 0 : i32
      %dma_wait3A_233 = arith.constant 0 : i32
      %dma_wait3A_234 = tpu.memref_slice %arg14[%run_scoped3A_34, %dma_wait3A_232, %dma_wait3A_233] : memref<2x128x128xf32, #tpu.memory_space<vmem>> -> memref<1x128x128xf32, #tpu.memory_space<vmem>>
      %dma_wait3A_235 = tpu.memref_squeeze %dma_wait3A_234 : memref<1x128x128xf32, #tpu.memory_space<vmem>> -> memref<128x128xf32, #tpu.memory_space<vmem>>
      %dma_wait3A_236 = arith.constant 0 : i32
      %dma_wait3A_237 = tpu.memref_slice %arg10[%add3A_33, %dma_wait3A_236] : memref<10240x128xf32, #tpu.memory_space<vmem_shared>> -> memref<128x128xf32, #tpu.memory_space<vmem_shared>>
      %dma_wait3A_238 = arith.constant 0 : i32
      %dma_wait3A_239 = tpu.memref_slice %arg10[%add3A_33, %dma_wait3A_238] : memref<10240x128xf32, #tpu.memory_space<vmem_shared>> -> memref<128x128xf32, #tpu.memory_space<vmem_shared>>
      %dma_wait3A_240 = arith.constant 0 : i32
      %dma_wait3A_241 = arith.constant 0 : i32
      %dma_wait3A_242 = tpu.memref_slice %arg14[%run_scoped3A_34, %dma_wait3A_240, %dma_wait3A_241] : memref<2x128x128xf32, #tpu.memory_space<vmem>> -> memref<1x128x128xf32, #tpu.memory_space<vmem>>
      %dma_wait3A_243 = tpu.memref_squeeze %dma_wait3A_242 : memref<1x128x128xf32, #tpu.memory_space<vmem>> -> memref<128x128xf32, #tpu.memory_space<vmem>>
      tpu.wait_dma2 semaphore(%run_scoped3A_219 : memref<!tpu.dma_semaphore, #tpu.memory_space<semaphore_mem>>) src(%dma_wait3A_243 : memref<128x128xf32, #tpu.memory_space<vmem>>) dst(%dma_wait3A_239 : memref<128x128xf32, #tpu.memory_space<vmem_shared>>)
      tpu.yield
    }) : () -> ()
    %mul3A_35 = arith.constant 640 : i32
    %mul3A_36 = arith.muli %arg1, %mul3A_35 : i32
    %add3A_37 = arith.constant 384 : i32
    %add3A_38 = arith.addi %mul3A_36, %add3A_37 : i32
    %run_scoped3A_39 = arith.constant 0 : i32
    "tpu.region"() ({
      %run_scoped3A_219 = tpu.sem_alloc : memref<!tpu.dma_semaphore, #tpu.memory_space<semaphore_mem>>
      %dma_start3A_220 = arith.constant 0 : i32
      %dma_start3A_221 = arith.constant 0 : i32
      %dma_start3A_222 = tpu.memref_slice %arg14[%run_scoped3A_39, %dma_start3A_220, %dma_start3A_221] : memref<2x128x128xf32, #tpu.memory_space<vmem>> -> memref<1x128x128xf32, #tpu.memory_space<vmem>>
      %dma_start3A_223 = tpu.memref_squeeze %dma_start3A_222 : memref<1x128x128xf32, #tpu.memory_space<vmem>> -> memref<128x128xf32, #tpu.memory_space<vmem>>
      %dma_start3A_224 = arith.constant 0 : i32
      %dma_start3A_225 = tpu.memref_slice %arg10[%add3A_38, %dma_start3A_224] : memref<10240x128xf32, #tpu.memory_space<vmem_shared>> -> memref<128x128xf32, #tpu.memory_space<vmem_shared>>
      %dma_start3A_226 = arith.constant 0 : i32
      %dma_start3A_227 = tpu.memref_slice %arg10[%add3A_38, %dma_start3A_226] : memref<10240x128xf32, #tpu.memory_space<vmem_shared>> -> memref<128x128xf32, #tpu.memory_space<vmem_shared>>
      %dma_start3A_228 = arith.constant 0 : i32
      %dma_start3A_229 = arith.constant 0 : i32
      %dma_start3A_230 = tpu.memref_slice %arg14[%run_scoped3A_39, %dma_start3A_228, %dma_start3A_229] : memref<2x128x128xf32, #tpu.memory_space<vmem>> -> memref<1x128x128xf32, #tpu.memory_space<vmem>>
      %dma_start3A_231 = tpu.memref_squeeze %dma_start3A_230 : memref<1x128x128xf32, #tpu.memory_space<vmem>> -> memref<128x128xf32, #tpu.memory_space<vmem>>
      tpu.enqueue_dma source(%dma_start3A_231 : memref<128x128xf32, #tpu.memory_space<vmem>>) target(%dma_start3A_227 : memref<128x128xf32, #tpu.memory_space<vmem_shared>>) target_semaphore(%run_scoped3A_219 : memref<!tpu.dma_semaphore, #tpu.memory_space<semaphore_mem>>)
      %dma_wait3A_232 = arith.constant 0 : i32
      %dma_wait3A_233 = arith.constant 0 : i32
      %dma_wait3A_234 = tpu.memref_slice %arg14[%run_scoped3A_39, %dma_wait3A_232, %dma_wait3A_233] : memref<2x128x128xf32, #tpu.memory_space<vmem>> -> memref<1x128x128xf32, #tpu.memory_space<vmem>>
      %dma_wait3A_235 = tpu.memref_squeeze %dma_wait3A_234 : memref<1x128x128xf32, #tpu.memory_space<vmem>> -> memref<128x128xf32, #tpu.memory_space<vmem>>
      %dma_wait3A_236 = arith.constant 0 : i32
      %dma_wait3A_237 = tpu.memref_slice %arg10[%add3A_38, %dma_wait3A_236] : memref<10240x128xf32, #tpu.memory_space<vmem_shared>> -> memref<128x128xf32, #tpu.memory_space<vmem_shared>>
      %dma_wait3A_238 = arith.constant 0 : i32
      %dma_wait3A_239 = tpu.memref_slice %arg10[%add3A_38, %dma_wait3A_238] : memref<10240x128xf32, #tpu.memory_space<vmem_shared>> -> memref<128x128xf32, #tpu.memory_space<vmem_shared>>
      %dma_wait3A_240 = arith.constant 0 : i32
      %dma_wait3A_241 = arith.constant 0 : i32
      %dma_wait3A_242 = tpu.memref_slice %arg14[%run_scoped3A_39, %dma_wait3A_240, %dma_wait3A_241] : memref<2x128x128xf32, #tpu.memory_space<vmem>> -> memref<1x128x128xf32, #tpu.memory_space<vmem>>
      %dma_wait3A_243 = tpu.memref_squeeze %dma_wait3A_242 : memref<1x128x128xf32, #tpu.memory_space<vmem>> -> memref<128x128xf32, #tpu.memory_space<vmem>>
      tpu.wait_dma2 semaphore(%run_scoped3A_219 : memref<!tpu.dma_semaphore, #tpu.memory_space<semaphore_mem>>) src(%dma_wait3A_243 : memref<128x128xf32, #tpu.memory_space<vmem>>) dst(%dma_wait3A_239 : memref<128x128xf32, #tpu.memory_space<vmem_shared>>)
      tpu.yield
    }) : () -> ()
    %mul3A_40 = arith.constant 640 : i32
    %mul3A_41 = arith.muli %arg1, %mul3A_40 : i32
    %add3A_42 = arith.constant 512 : i32
    %add3A_43 = arith.addi %mul3A_41, %add3A_42 : i32
    %run_scoped3A_44 = arith.constant 0 : i32
    "tpu.region"() ({
      %run_scoped3A_219 = tpu.sem_alloc : memref<!tpu.dma_semaphore, #tpu.memory_space<semaphore_mem>>
      %dma_start3A_220 = arith.constant 0 : i32
      %dma_start3A_221 = arith.constant 0 : i32
      %dma_start3A_222 = tpu.memref_slice %arg14[%run_scoped3A_44, %dma_start3A_220, %dma_start3A_221] : memref<2x128x128xf32, #tpu.memory_space<vmem>> -> memref<1x128x128xf32, #tpu.memory_space<vmem>>
      %dma_start3A_223 = tpu.memref_squeeze %dma_start3A_222 : memref<1x128x128xf32, #tpu.memory_space<vmem>> -> memref<128x128xf32, #tpu.memory_space<vmem>>
      %dma_start3A_224 = arith.constant 0 : i32
      %dma_start3A_225 = tpu.memref_slice %arg10[%add3A_43, %dma_start3A_224] : memref<10240x128xf32, #tpu.memory_space<vmem_shared>> -> memref<128x128xf32, #tpu.memory_space<vmem_shared>>
      %dma_start3A_226 = arith.constant 0 : i32
      %dma_start3A_227 = tpu.memref_slice %arg10[%add3A_43, %dma_start3A_226] : memref<10240x128xf32, #tpu.memory_space<vmem_shared>> -> memref<128x128xf32, #tpu.memory_space<vmem_shared>>
      %dma_start3A_228 = arith.constant 0 : i32
      %dma_start3A_229 = arith.constant 0 : i32
      %dma_start3A_230 = tpu.memref_slice %arg14[%run_scoped3A_44, %dma_start3A_228, %dma_start3A_229] : memref<2x128x128xf32, #tpu.memory_space<vmem>> -> memref<1x128x128xf32, #tpu.memory_space<vmem>>
      %dma_start3A_231 = tpu.memref_squeeze %dma_start3A_230 : memref<1x128x128xf32, #tpu.memory_space<vmem>> -> memref<128x128xf32, #tpu.memory_space<vmem>>
      tpu.enqueue_dma source(%dma_start3A_231 : memref<128x128xf32, #tpu.memory_space<vmem>>) target(%dma_start3A_227 : memref<128x128xf32, #tpu.memory_space<vmem_shared>>) target_semaphore(%run_scoped3A_219 : memref<!tpu.dma_semaphore, #tpu.memory_space<semaphore_mem>>)
      %dma_wait3A_232 = arith.constant 0 : i32
      %dma_wait3A_233 = arith.constant 0 : i32
      %dma_wait3A_234 = tpu.memref_slice %arg14[%run_scoped3A_44, %dma_wait3A_232, %dma_wait3A_233] : memref<2x128x128xf32, #tpu.memory_space<vmem>> -> memref<1x128x128xf32, #tpu.memory_space<vmem>>
      %dma_wait3A_235 = tpu.memref_squeeze %dma_wait3A_234 : memref<1x128x128xf32, #tpu.memory_space<vmem>> -> memref<128x128xf32, #tpu.memory_space<vmem>>
      %dma_wait3A_236 = arith.constant 0 : i32
      %dma_wait3A_237 = tpu.memref_slice %arg10[%add3A_43, %dma_wait3A_236] : memref<10240x128xf32, #tpu.memory_space<vmem_shared>> -> memref<128x128xf32, #tpu.memory_space<vmem_shared>>
      %dma_wait3A_238 = arith.constant 0 : i32
      %dma_wait3A_239 = tpu.memref_slice %arg10[%add3A_43, %dma_wait3A_238] : memref<10240x128xf32, #tpu.memory_space<vmem_shared>> -> memref<128x128xf32, #tpu.memory_space<vmem_shared>>
      %dma_wait3A_240 = arith.constant 0 : i32
      %dma_wait3A_241 = arith.constant 0 : i32
      %dma_wait3A_242 = tpu.memref_slice %arg14[%run_scoped3A_44, %dma_wait3A_240, %dma_wait3A_241] : memref<2x128x128xf32, #tpu.memory_space<vmem>> -> memref<1x128x128xf32, #tpu.memory_space<vmem>>
      %dma_wait3A_243 = tpu.memref_squeeze %dma_wait3A_242 : memref<1x128x128xf32, #tpu.memory_space<vmem>> -> memref<128x128xf32, #tpu.memory_space<vmem>>
      tpu.wait_dma2 semaphore(%run_scoped3A_219 : memref<!tpu.dma_semaphore, #tpu.memory_space<semaphore_mem>>) src(%dma_wait3A_243 : memref<128x128xf32, #tpu.memory_space<vmem>>) dst(%dma_wait3A_239 : memref<128x128xf32, #tpu.memory_space<vmem_shared>>)
      tpu.yield
    }) : () -> ()
    %add3A_45 = arith.constant 0 : i32
    %add3A_46 = arith.addi %mul3A_4, %add3A_45 : i32
    %dma_start3A = arith.constant 0 : i32
    %dma_start3A_47 = arith.constant 0 : i32
    %dma_start3A_48 = tpu.memref_slice %arg11[%dma_start3A, %dma_start3A_47] : memref<4x128xi32, #tpu.memory_space<vmem>> -> memref<1x128xi32, #tpu.memory_space<vmem>>
    %dma_start3A_49 = tpu.memref_squeeze %dma_start3A_48 : memref<1x128xi32, #tpu.memory_space<vmem>> -> memref<128xi32, #tpu.memory_space<vmem>>
    %dma_start3A_50 = tpu.memref_slice %arg3[%add3A_46] : memref<327680xi32, #tpu.memory_space<hbm>> -> memref<128xi32, #tpu.memory_space<hbm>>
    %dma_start3A_51 = arith.constant 0 : i32
    %dma_start3A_52 = tpu.memref_slice %arg11[%dma_start3A, %dma_start3A_51] : memref<4x128xi32, #tpu.memory_space<vmem>> -> memref<1x128xi32, #tpu.memory_space<vmem>>
    %dma_start3A_53 = tpu.memref_squeeze %dma_start3A_52 : memref<1x128xi32, #tpu.memory_space<vmem>> -> memref<128xi32, #tpu.memory_space<vmem>>
    %dma_start3A_54 = tpu.memref_slice %arg3[%add3A_46] : memref<327680xi32, #tpu.memory_space<hbm>> -> memref<128xi32, #tpu.memory_space<hbm>>
    tpu.enqueue_dma source(%dma_start3A_54 : memref<128xi32, #tpu.memory_space<hbm>>) target(%dma_start3A_53 : memref<128xi32, #tpu.memory_space<vmem>>) target_semaphore(%arg18 : memref<!tpu.dma_semaphore, #tpu.memory_space<semaphore_mem>>)
    %add3A_55 = arith.constant 0 : i32
    %add3A_56 = arith.addi %mul3A_4, %add3A_55 : i32
    %dma_start3A_57 = arith.constant 0 : i32
    %dma_start3A_58 = arith.constant 0 : i32
    %dma_start3A_59 = tpu.memref_slice %arg12[%dma_start3A_57, %dma_start3A_58] : memref<4x128xi32, #tpu.memory_space<vmem>> -> memref<1x128xi32, #tpu.memory_space<vmem>>
    %dma_start3A_60 = tpu.memref_squeeze %dma_start3A_59 : memref<1x128xi32, #tpu.memory_space<vmem>> -> memref<128xi32, #tpu.memory_space<vmem>>
    %dma_start3A_61 = tpu.memref_slice %arg4[%add3A_56] : memref<327680xi32, #tpu.memory_space<hbm>> -> memref<128xi32, #tpu.memory_space<hbm>>
    %dma_start3A_62 = arith.constant 0 : i32
    %dma_start3A_63 = tpu.memref_slice %arg12[%dma_start3A_57, %dma_start3A_62] : memref<4x128xi32, #tpu.memory_space<vmem>> -> memref<1x128xi32, #tpu.memory_space<vmem>>
    %dma_start3A_64 = tpu.memref_squeeze %dma_start3A_63 : memref<1x128xi32, #tpu.memory_space<vmem>> -> memref<128xi32, #tpu.memory_space<vmem>>
    %dma_start3A_65 = tpu.memref_slice %arg4[%add3A_56] : memref<327680xi32, #tpu.memory_space<hbm>> -> memref<128xi32, #tpu.memory_space<hbm>>
    tpu.enqueue_dma source(%dma_start3A_65 : memref<128xi32, #tpu.memory_space<hbm>>) target(%dma_start3A_64 : memref<128xi32, #tpu.memory_space<vmem>>) target_semaphore(%arg18 : memref<!tpu.dma_semaphore, #tpu.memory_space<semaphore_mem>>)
    %add3A_66 = arith.constant 0 : i32
    %add3A_67 = arith.addi %mul3A_4, %add3A_66 : i32
    %dma_wait3A = arith.constant 0 : i32
    %dma_wait3A_68 = arith.constant 0 : i32
    %dma_wait3A_69 = tpu.memref_slice %arg11[%dma_wait3A, %dma_wait3A_68] : memref<4x128xi32, #tpu.memory_space<vmem>> -> memref<1x128xi32, #tpu.memory_space<vmem>>
    %dma_wait3A_70 = tpu.memref_squeeze %dma_wait3A_69 : memref<1x128xi32, #tpu.memory_space<vmem>> -> memref<128xi32, #tpu.memory_space<vmem>>
    %dma_wait3A_71 = tpu.memref_slice %arg3[%add3A_67] : memref<327680xi32, #tpu.memory_space<hbm>> -> memref<128xi32, #tpu.memory_space<hbm>>
    %dma_wait3A_72 = arith.constant 0 : i32
    %dma_wait3A_73 = tpu.memref_slice %arg11[%dma_wait3A, %dma_wait3A_72] : memref<4x128xi32, #tpu.memory_space<vmem>> -> memref<1x128xi32, #tpu.memory_space<vmem>>
    %dma_wait3A_74 = tpu.memref_squeeze %dma_wait3A_73 : memref<1x128xi32, #tpu.memory_space<vmem>> -> memref<128xi32, #tpu.memory_space<vmem>>
    %dma_wait3A_75 = tpu.memref_slice %arg3[%add3A_67] : memref<327680xi32, #tpu.memory_space<hbm>> -> memref<128xi32, #tpu.memory_space<hbm>>
    tpu.wait_dma2 semaphore(%arg18 : memref<!tpu.dma_semaphore, #tpu.memory_space<semaphore_mem>>) src(%dma_wait3A_75 : memref<128xi32, #tpu.memory_space<hbm>>) dst(%dma_wait3A_74 : memref<128xi32, #tpu.memory_space<vmem>>)
    %add3A_76 = arith.constant 0 : i32
    %add3A_77 = arith.addi %mul3A_4, %add3A_76 : i32
    %dma_wait3A_78 = arith.constant 0 : i32
    %dma_wait3A_79 = arith.constant 0 : i32
    %dma_wait3A_80 = tpu.memref_slice %arg12[%dma_wait3A_78, %dma_wait3A_79] : memref<4x128xi32, #tpu.memory_space<vmem>> -> memref<1x128xi32, #tpu.memory_space<vmem>>
    %dma_wait3A_81 = tpu.memref_squeeze %dma_wait3A_80 : memref<1x128xi32, #tpu.memory_space<vmem>> -> memref<128xi32, #tpu.memory_space<vmem>>
    %dma_wait3A_82 = tpu.memref_slice %arg4[%add3A_77] : memref<327680xi32, #tpu.memory_space<hbm>> -> memref<128xi32, #tpu.memory_space<hbm>>
    %dma_wait3A_83 = arith.constant 0 : i32
    %dma_wait3A_84 = tpu.memref_slice %arg12[%dma_wait3A_78, %dma_wait3A_83] : memref<4x128xi32, #tpu.memory_space<vmem>> -> memref<1x128xi32, #tpu.memory_space<vmem>>
    %dma_wait3A_85 = tpu.memref_squeeze %dma_wait3A_84 : memref<1x128xi32, #tpu.memory_space<vmem>> -> memref<128xi32, #tpu.memory_space<vmem>>
    %dma_wait3A_86 = tpu.memref_slice %arg4[%add3A_77] : memref<327680xi32, #tpu.memory_space<hbm>> -> memref<128xi32, #tpu.memory_space<hbm>>
    tpu.wait_dma2 semaphore(%arg18 : memref<!tpu.dma_semaphore, #tpu.memory_space<semaphore_mem>>) src(%dma_wait3A_86 : memref<128xi32, #tpu.memory_space<hbm>>) dst(%dma_wait3A_85 : memref<128xi32, #tpu.memory_space<vmem>>)
    %add3A_87 = arith.constant 128 : i32
    %add3A_88 = arith.addi %mul3A_4, %add3A_87 : i32
    %dma_start3A_89 = arith.constant 1 : i32
    %dma_start3A_90 = arith.constant 0 : i32
    %dma_start3A_91 = tpu.memref_slice %arg11[%dma_start3A_89, %dma_start3A_90] : memref<4x128xi32, #tpu.memory_space<vmem>> -> memref<1x128xi32, #tpu.memory_space<vmem>>
    %dma_start3A_92 = tpu.memref_squeeze %dma_start3A_91 : memref<1x128xi32, #tpu.memory_space<vmem>> -> memref<128xi32, #tpu.memory_space<vmem>>
    %dma_start3A_93 = tpu.memref_slice %arg3[%add3A_88] : memref<327680xi32, #tpu.memory_space<hbm>> -> memref<128xi32, #tpu.memory_space<hbm>>
    %dma_start3A_94 = arith.constant 0 : i32
    %dma_start3A_95 = tpu.memref_slice %arg11[%dma_start3A_89, %dma_start3A_94] : memref<4x128xi32, #tpu.memory_space<vmem>> -> memref<1x128xi32, #tpu.memory_space<vmem>>
    %dma_start3A_96 = tpu.memref_squeeze %dma_start3A_95 : memref<1x128xi32, #tpu.memory_space<vmem>> -> memref<128xi32, #tpu.memory_space<vmem>>
    %dma_start3A_97 = tpu.memref_slice %arg3[%add3A_88] : memref<327680xi32, #tpu.memory_space<hbm>> -> memref<128xi32, #tpu.memory_space<hbm>>
    tpu.enqueue_dma source(%dma_start3A_97 : memref<128xi32, #tpu.memory_space<hbm>>) target(%dma_start3A_96 : memref<128xi32, #tpu.memory_space<vmem>>) target_semaphore(%arg18 : memref<!tpu.dma_semaphore, #tpu.memory_space<semaphore_mem>>)
    %add3A_98 = arith.constant 128 : i32
    %add3A_99 = arith.addi %mul3A_4, %add3A_98 : i32
    %dma_start3A_100 = arith.constant 1 : i32
    %dma_start3A_101 = arith.constant 0 : i32
    %dma_start3A_102 = tpu.memref_slice %arg12[%dma_start3A_100, %dma_start3A_101] : memref<4x128xi32, #tpu.memory_space<vmem>> -> memref<1x128xi32, #tpu.memory_space<vmem>>
    %dma_start3A_103 = tpu.memref_squeeze %dma_start3A_102 : memref<1x128xi32, #tpu.memory_space<vmem>> -> memref<128xi32, #tpu.memory_space<vmem>>
    %dma_start3A_104 = tpu.memref_slice %arg4[%add3A_99] : memref<327680xi32, #tpu.memory_space<hbm>> -> memref<128xi32, #tpu.memory_space<hbm>>
    %dma_start3A_105 = arith.constant 0 : i32
    %dma_start3A_106 = tpu.memref_slice %arg12[%dma_start3A_100, %dma_start3A_105] : memref<4x128xi32, #tpu.memory_space<vmem>> -> memref<1x128xi32, #tpu.memory_space<vmem>>
    %dma_start3A_107 = tpu.memref_squeeze %dma_start3A_106 : memref<1x128xi32, #tpu.memory_space<vmem>> -> memref<128xi32, #tpu.memory_space<vmem>>
    %dma_start3A_108 = tpu.memref_slice %arg4[%add3A_99] : memref<327680xi32, #tpu.memory_space<hbm>> -> memref<128xi32, #tpu.memory_space<hbm>>
    tpu.enqueue_dma source(%dma_start3A_108 : memref<128xi32, #tpu.memory_space<hbm>>) target(%dma_start3A_107 : memref<128xi32, #tpu.memory_space<vmem>>) target_semaphore(%arg18 : memref<!tpu.dma_semaphore, #tpu.memory_space<semaphore_mem>>)
    %dma_start3A_109 = arith.constant 0 : i32
    %dma_start3A_110 = arith.constant 0 : i32
    %dma_start3A_111 = arith.constant 0 : i32
    %dma_start3A_112 = arith.constant 0 : i32
    %dma_start3A_113 = tpu.memref_slice %arg14[%dma_start3A_110, %dma_start3A_111, %dma_start3A_112] : memref<2x128x128xf32, #tpu.memory_space<vmem>> -> memref<1x128x128xf32, #tpu.memory_space<vmem>>
    %dma_start3A_114 = tpu.memref_squeeze %dma_start3A_113 : memref<1x128x128xf32, #tpu.memory_space<vmem>> -> memref<128x128xf32, #tpu.memory_space<vmem>>
    %dma_start3A_115 = arith.constant 0 : i32
    %dma_start3A_116 = tpu.memref_slice %arg11[%dma_start3A_109, %dma_start3A_115] : memref<4x128xi32, #tpu.memory_space<vmem>> -> memref<1x128xi32, #tpu.memory_space<vmem>>
    %dma_start3A_117 = tpu.memref_squeeze %dma_start3A_116 : memref<1x128xi32, #tpu.memory_space<vmem>> -> memref<128xi32, #tpu.memory_space<vmem>>
    %dma_start3A_118 = arith.constant 0 : i32
    %dma_start3A_119 = arith.constant 0 : i32
    %dma_start3A_120 = tpu.memref_slice %arg2[%dma_start3A_118, %dma_start3A_119] : memref<20000x128xf32, #tpu.memory_space<hbm>> -> memref<20000x128xf32, #tpu.memory_space<hbm>>
    tpu.enqueue_indirect_dma source(%dma_start3A_120 : memref<20000x128xf32, #tpu.memory_space<hbm>>) target(%dma_start3A_114 : memref<128x128xf32, #tpu.memory_space<vmem>>) offsets(%dma_start3A_117 : memref<128xi32, #tpu.memory_space<vmem>>) semaphore(%arg16 : memref<!tpu.dma_semaphore, #tpu.memory_space<semaphore_mem>>)
    %barrier3A = arith.constant 0 : index
    tpu.barrier barrier_id(%barrier3A)
    %scan3A_121 = arith.constant 0 : i32
    %scan3A_122 = arith.constant 0 : i32
    %scan3A_123 = arith.constant 80 : i32
    %scan3A_124 = arith.addi %scan3A_122, %scan3A_123 : i32
    %scan3A_125 = arith.constant 1 : i32
    scf.for %scan3A_219 = %scan3A_122 to %scan3A_124 step %scan3A_125  : i32 {
      %rem3A = arith.constant 2 : i32
      %rem3A_220 = arith.remsi %scan3A_219, %rem3A : i32
      %rem3A_221 = arith.constant 4 : i32
      %rem3A_222 = arith.remsi %scan3A_219, %rem3A_221 : i32
      %add3A_223 = arith.constant 1 : i32
      %add3A_224 = arith.addi %scan3A_219, %add3A_223 : i32
      %rem3A_225 = arith.constant 4 : i32
      %rem3A_226 = arith.remsi %add3A_224, %rem3A_225 : i32
      %add3A_227 = arith.constant 2 : i32
      %add3A_228 = arith.addi %scan3A_219, %add3A_227 : i32
      %rem3A_229 = arith.constant 4 : i32
      %rem3A_230 = arith.remsi %add3A_228, %rem3A_229 : i32
      %dma_wait3A_231 = arith.constant 0 : i32
      %dma_wait3A_232 = arith.constant 0 : i32
      %dma_wait3A_233 = tpu.memref_slice %arg14[%rem3A_220, %dma_wait3A_231, %dma_wait3A_232] : memref<2x128x128xf32, #tpu.memory_space<vmem>> -> memref<1x128x128xf32, #tpu.memory_space<vmem>>
      %dma_wait3A_234 = tpu.memref_squeeze %dma_wait3A_233 : memref<1x128x128xf32, #tpu.memory_space<vmem>> -> memref<128x128xf32, #tpu.memory_space<vmem>>
      %dma_wait3A_235 = arith.constant 0 : i32
      %dma_wait3A_236 = tpu.memref_slice %arg11[%rem3A_222, %dma_wait3A_235] : memref<4x128xi32, #tpu.memory_space<vmem>> -> memref<1x128xi32, #tpu.memory_space<vmem>>
      %dma_wait3A_237 = tpu.memref_squeeze %dma_wait3A_236 : memref<1x128xi32, #tpu.memory_space<vmem>> -> memref<128xi32, #tpu.memory_space<vmem>>
      %dma_wait3A_238 = arith.constant 0 : i32
      %dma_wait3A_239 = arith.constant 0 : i32
      %dma_wait3A_240 = tpu.memref_slice %arg2[%dma_wait3A_238, %dma_wait3A_239] : memref<20000x128xf32, #tpu.memory_space<hbm>> -> memref<20000x128xf32, #tpu.memory_space<hbm>>
      tpu.wait_indirect_dma semaphore(%arg16 : memref<!tpu.dma_semaphore, #tpu.memory_space<semaphore_mem>>) src(%dma_wait3A_240 : memref<20000x128xf32, #tpu.memory_space<hbm>>) dst(%dma_wait3A_234 : memref<128x128xf32, #tpu.memory_space<vmem>>)
      %ge3A = arith.constant 1 : i32
      %ge3A_241 = arith.cmpi sge, %scan3A_219, %ge3A : i32
      %convert_element_type3A = arith.extui %ge3A_241 : i1 to i32
      %cond3A = arith.constant 0 : i32
      %cond3A_242 = arith.cmpi ne, %convert_element_type3A, %cond3A : i32
      scf.if %cond3A_242 {
        %sub3A = arith.constant 1 : i32
        %sub3A_289 = arith.subi %sub3A, %rem3A_220 : i32
        %dma_wait3A_290 = arith.constant 0 : i32
        %dma_wait3A_291 = arith.constant 0 : i32
        %dma_wait3A_292 = tpu.memref_slice %arg14[%sub3A_289, %dma_wait3A_290, %dma_wait3A_291] : memref<2x128x128xf32, #tpu.memory_space<vmem>> -> memref<1x128x128xf32, #tpu.memory_space<vmem>>
        %dma_wait3A_293 = tpu.memref_squeeze %dma_wait3A_292 : memref<1x128x128xf32, #tpu.memory_space<vmem>> -> memref<128x128xf32, #tpu.memory_space<vmem>>
        %dma_wait3A_294 = arith.constant 0 : i32
        %dma_wait3A_295 = tpu.memref_slice %arg12[%rem3A_222, %dma_wait3A_294] : memref<4x128xi32, #tpu.memory_space<vmem>> -> memref<1x128xi32, #tpu.memory_space<vmem>>
        %dma_wait3A_296 = tpu.memref_squeeze %dma_wait3A_295 : memref<1x128xi32, #tpu.memory_space<vmem>> -> memref<128xi32, #tpu.memory_space<vmem>>
        %dma_wait3A_297 = arith.constant 0 : i32
        %dma_wait3A_298 = arith.constant 0 : i32
        %dma_wait3A_299 = tpu.memref_slice %arg10[%dma_wait3A_297, %dma_wait3A_298] : memref<10240x128xf32, #tpu.memory_space<vmem_shared>> -> memref<10240x128xf32, #tpu.memory_space<vmem_shared>>
        tpu.wait_indirect_dma semaphore(%arg17 : memref<!tpu.dma_semaphore, #tpu.memory_space<semaphore_mem>>) src(%dma_wait3A_293 : memref<128x128xf32, #tpu.memory_space<vmem>>) dst(%dma_wait3A_299 : memref<10240x128xf32, #tpu.memory_space<vmem_shared>>)
      } else {
      }
      %add3A_243 = arith.constant 1 : i32
      %add3A_244 = arith.addi %scan3A_219, %add3A_243 : i32
      %lt3A = arith.constant 80 : i32
      %lt3A_245 = arith.cmpi slt, %add3A_244, %lt3A : i32
      %convert_element_type3A_246 = arith.extui %lt3A_245 : i1 to i32
      %cond3A_247 = arith.constant 0 : i32
      %cond3A_248 = arith.cmpi ne, %convert_element_type3A_246, %cond3A_247 : i32
      scf.if %cond3A_248 {
        %add3A_289 = arith.constant 1 : i32
        %add3A_290 = arith.addi %scan3A_219, %add3A_289 : i32
        %mul3A_291 = arith.constant 128 : i32
        %mul3A_292 = arith.muli %add3A_290, %mul3A_291 : i32
        %add3A_293 = arith.addi %mul3A_4, %mul3A_292 : i32
        %dma_wait3A_294 = arith.constant 0 : i32
        %dma_wait3A_295 = tpu.memref_slice %arg11[%rem3A_226, %dma_wait3A_294] : memref<4x128xi32, #tpu.memory_space<vmem>> -> memref<1x128xi32, #tpu.memory_space<vmem>>
        %dma_wait3A_296 = tpu.memref_squeeze %dma_wait3A_295 : memref<1x128xi32, #tpu.memory_space<vmem>> -> memref<128xi32, #tpu.memory_space<vmem>>
        %dma_wait3A_297 = tpu.memref_slice %arg3[%add3A_293] : memref<327680xi32, #tpu.memory_space<hbm>> -> memref<128xi32, #tpu.memory_space<hbm>>
        %dma_wait3A_298 = arith.constant 0 : i32
        %dma_wait3A_299 = tpu.memref_slice %arg11[%rem3A_226, %dma_wait3A_298] : memref<4x128xi32, #tpu.memory_space<vmem>> -> memref<1x128xi32, #tpu.memory_space<vmem>>
        %dma_wait3A_300 = tpu.memref_squeeze %dma_wait3A_299 : memref<1x128xi32, #tpu.memory_space<vmem>> -> memref<128xi32, #tpu.memory_space<vmem>>
        %dma_wait3A_301 = tpu.memref_slice %arg3[%add3A_293] : memref<327680xi32, #tpu.memory_space<hbm>> -> memref<128xi32, #tpu.memory_space<hbm>>
        tpu.wait_dma2 semaphore(%arg18 : memref<!tpu.dma_semaphore, #tpu.memory_space<semaphore_mem>>) src(%dma_wait3A_301 : memref<128xi32, #tpu.memory_space<hbm>>) dst(%dma_wait3A_300 : memref<128xi32, #tpu.memory_space<vmem>>)
        %mul3A_302 = arith.constant 128 : i32
        %mul3A_303 = arith.muli %add3A_290, %mul3A_302 : i32
        %add3A_304 = arith.addi %mul3A_4, %mul3A_303 : i32
        %dma_wait3A_305 = arith.constant 0 : i32
        %dma_wait3A_306 = tpu.memref_slice %arg12[%rem3A_226, %dma_wait3A_305] : memref<4x128xi32, #tpu.memory_space<vmem>> -> memref<1x128xi32, #tpu.memory_space<vmem>>
        %dma_wait3A_307 = tpu.memref_squeeze %dma_wait3A_306 : memref<1x128xi32, #tpu.memory_space<vmem>> -> memref<128xi32, #tpu.memory_space<vmem>>
        %dma_wait3A_308 = tpu.memref_slice %arg4[%add3A_304] : memref<327680xi32, #tpu.memory_space<hbm>> -> memref<128xi32, #tpu.memory_space<hbm>>
        %dma_wait3A_309 = arith.constant 0 : i32
        %dma_wait3A_310 = tpu.memref_slice %arg12[%rem3A_226, %dma_wait3A_309] : memref<4x128xi32, #tpu.memory_space<vmem>> -> memref<1x128xi32, #tpu.memory_space<vmem>>
        %dma_wait3A_311 = tpu.memref_squeeze %dma_wait3A_310 : memref<1x128xi32, #tpu.memory_space<vmem>> -> memref<128xi32, #tpu.memory_space<vmem>>
        %dma_wait3A_312 = tpu.memref_slice %arg4[%add3A_304] : memref<327680xi32, #tpu.memory_space<hbm>> -> memref<128xi32, #tpu.memory_space<hbm>>
        tpu.wait_dma2 semaphore(%arg18 : memref<!tpu.dma_semaphore, #tpu.memory_space<semaphore_mem>>) src(%dma_wait3A_312 : memref<128xi32, #tpu.memory_space<hbm>>) dst(%dma_wait3A_311 : memref<128xi32, #tpu.memory_space<vmem>>)
        %sub3A = arith.constant 1 : i32
        %sub3A_313 = arith.subi %sub3A, %rem3A_220 : i32
        %dma_start3A_314 = arith.constant 0 : i32
        %dma_start3A_315 = arith.constant 0 : i32
        %dma_start3A_316 = tpu.memref_slice %arg14[%sub3A_313, %dma_start3A_314, %dma_start3A_315] : memref<2x128x128xf32, #tpu.memory_space<vmem>> -> memref<1x128x128xf32, #tpu.memory_space<vmem>>
        %dma_start3A_317 = tpu.memref_squeeze %dma_start3A_316 : memref<1x128x128xf32, #tpu.memory_space<vmem>> -> memref<128x128xf32, #tpu.memory_space<vmem>>
        %dma_start3A_318 = arith.constant 0 : i32
        %dma_start3A_319 = tpu.memref_slice %arg11[%rem3A_226, %dma_start3A_318] : memref<4x128xi32, #tpu.memory_space<vmem>> -> memref<1x128xi32, #tpu.memory_space<vmem>>
        %dma_start3A_320 = tpu.memref_squeeze %dma_start3A_319 : memref<1x128xi32, #tpu.memory_space<vmem>> -> memref<128xi32, #tpu.memory_space<vmem>>
        %dma_start3A_321 = arith.constant 0 : i32
        %dma_start3A_322 = arith.constant 0 : i32
        %dma_start3A_323 = tpu.memref_slice %arg2[%dma_start3A_321, %dma_start3A_322] : memref<20000x128xf32, #tpu.memory_space<hbm>> -> memref<20000x128xf32, #tpu.memory_space<hbm>>
        tpu.enqueue_indirect_dma source(%dma_start3A_323 : memref<20000x128xf32, #tpu.memory_space<hbm>>) target(%dma_start3A_317 : memref<128x128xf32, #tpu.memory_space<vmem>>) offsets(%dma_start3A_320 : memref<128xi32, #tpu.memory_space<vmem>>) semaphore(%arg16 : memref<!tpu.dma_semaphore, #tpu.memory_space<semaphore_mem>>)
      } else {
      }
      %add3A_249 = arith.constant 2 : i32
      %add3A_250 = arith.addi %scan3A_219, %add3A_249 : i32
      %lt3A_251 = arith.constant 80 : i32
      %lt3A_252 = arith.cmpi slt, %add3A_250, %lt3A_251 : i32
      %convert_element_type3A_253 = arith.extui %lt3A_252 : i1 to i32
      %cond3A_254 = arith.constant 0 : i32
      %cond3A_255 = arith.cmpi ne, %convert_element_type3A_253, %cond3A_254 : i32
      scf.if %cond3A_255 {
        %add3A_289 = arith.constant 2 : i32
        %add3A_290 = arith.addi %scan3A_219, %add3A_289 : i32
        %mul3A_291 = arith.constant 128 : i32
        %mul3A_292 = arith.muli %add3A_290, %mul3A_291 : i32
        %add3A_293 = arith.addi %mul3A_4, %mul3A_292 : i32
        %dma_start3A_294 = arith.constant 0 : i32
        %dma_start3A_295 = tpu.memref_slice %arg11[%rem3A_230, %dma_start3A_294] : memref<4x128xi32, #tpu.memory_space<vmem>> -> memref<1x128xi32, #tpu.memory_space<vmem>>
        %dma_start3A_296 = tpu.memref_squeeze %dma_start3A_295 : memref<1x128xi32, #tpu.memory_space<vmem>> -> memref<128xi32, #tpu.memory_space<vmem>>
        %dma_start3A_297 = tpu.memref_slice %arg3[%add3A_293] : memref<327680xi32, #tpu.memory_space<hbm>> -> memref<128xi32, #tpu.memory_space<hbm>>
        %dma_start3A_298 = arith.constant 0 : i32
        %dma_start3A_299 = tpu.memref_slice %arg11[%rem3A_230, %dma_start3A_298] : memref<4x128xi32, #tpu.memory_space<vmem>> -> memref<1x128xi32, #tpu.memory_space<vmem>>
        %dma_start3A_300 = tpu.memref_squeeze %dma_start3A_299 : memref<1x128xi32, #tpu.memory_space<vmem>> -> memref<128xi32, #tpu.memory_space<vmem>>
        %dma_start3A_301 = tpu.memref_slice %arg3[%add3A_293] : memref<327680xi32, #tpu.memory_space<hbm>> -> memref<128xi32, #tpu.memory_space<hbm>>
        tpu.enqueue_dma source(%dma_start3A_301 : memref<128xi32, #tpu.memory_space<hbm>>) target(%dma_start3A_300 : memref<128xi32, #tpu.memory_space<vmem>>) target_semaphore(%arg18 : memref<!tpu.dma_semaphore, #tpu.memory_space<semaphore_mem>>)
        %mul3A_302 = arith.constant 128 : i32
        %mul3A_303 = arith.muli %add3A_290, %mul3A_302 : i32
        %add3A_304 = arith.addi %mul3A_4, %mul3A_303 : i32
        %dma_start3A_305 = arith.constant 0 : i32
        %dma_start3A_306 = tpu.memref_slice %arg12[%rem3A_230, %dma_start3A_305] : memref<4x128xi32, #tpu.memory_space<vmem>> -> memref<1x128xi32, #tpu.memory_space<vmem>>
        %dma_start3A_307 = tpu.memref_squeeze %dma_start3A_306 : memref<1x128xi32, #tpu.memory_space<vmem>> -> memref<128xi32, #tpu.memory_space<vmem>>
        %dma_start3A_308 = tpu.memref_slice %arg4[%add3A_304] : memref<327680xi32, #tpu.memory_space<hbm>> -> memref<128xi32, #tpu.memory_space<hbm>>
        %dma_start3A_309 = arith.constant 0 : i32
        %dma_start3A_310 = tpu.memref_slice %arg12[%rem3A_230, %dma_start3A_309] : memref<4x128xi32, #tpu.memory_space<vmem>> -> memref<1x128xi32, #tpu.memory_space<vmem>>
        %dma_start3A_311 = tpu.memref_squeeze %dma_start3A_310 : memref<1x128xi32, #tpu.memory_space<vmem>> -> memref<128xi32, #tpu.memory_space<vmem>>
        %dma_start3A_312 = tpu.memref_slice %arg4[%add3A_304] : memref<327680xi32, #tpu.memory_space<hbm>> -> memref<128xi32, #tpu.memory_space<hbm>>
        tpu.enqueue_dma source(%dma_start3A_312 : memref<128xi32, #tpu.memory_space<hbm>>) target(%dma_start3A_311 : memref<128xi32, #tpu.memory_space<vmem>>) target_semaphore(%arg18 : memref<!tpu.dma_semaphore, #tpu.memory_space<semaphore_mem>>)
      } else {
      }
      %dma_start3A_256 = arith.constant 0 : i32
      %dma_start3A_257 = arith.constant 0 : i32
      %dma_start3A_258 = tpu.memref_slice %arg14[%rem3A_220, %dma_start3A_256, %dma_start3A_257] : memref<2x128x128xf32, #tpu.memory_space<vmem>> -> memref<1x128x128xf32, #tpu.memory_space<vmem>>
      %dma_start3A_259 = tpu.memref_squeeze %dma_start3A_258 : memref<1x128x128xf32, #tpu.memory_space<vmem>> -> memref<128x128xf32, #tpu.memory_space<vmem>>
      %dma_start3A_260 = arith.constant 0 : i32
      %dma_start3A_261 = tpu.memref_slice %arg12[%rem3A_222, %dma_start3A_260] : memref<4x128xi32, #tpu.memory_space<vmem>> -> memref<1x128xi32, #tpu.memory_space<vmem>>
      %dma_start3A_262 = tpu.memref_squeeze %dma_start3A_261 : memref<1x128xi32, #tpu.memory_space<vmem>> -> memref<128xi32, #tpu.memory_space<vmem>>
      %dma_start3A_263 = arith.constant 0 : i32
      %dma_start3A_264 = arith.constant 0 : i32
      %dma_start3A_265 = tpu.memref_slice %arg10[%dma_start3A_263, %dma_start3A_264] : memref<10240x128xf32, #tpu.memory_space<vmem_shared>> -> memref<10240x128xf32, #tpu.memory_space<vmem_shared>>
      tpu.enqueue_indirect_dma source(%dma_start3A_259 : memref<128x128xf32, #tpu.memory_space<vmem>>) target(%dma_start3A_265 : memref<10240x128xf32, #tpu.memory_space<vmem_shared>>) offsets(%dma_start3A_262 : memref<128xi32, #tpu.memory_space<vmem>>) semaphore(%arg17 : memref<!tpu.dma_semaphore, #tpu.memory_space<semaphore_mem>>) {add = true}
      %get3A = arith.index_cast %rem3A_222 : i32 to index
      %get3A_266 = arith.constant 0 : index
      %get3A_267 = tpu.vector_load %arg12[%get3A, %get3A_266] {strides = array<i32>} : memref<4x128xi32, #tpu.memory_space<vmem>>, vector<16xi32>,
      tpu.vector_store_idx %arg15[%get3A_267], %broadcast_in_dim3A_7 {add = true} : memref<10240xf32, #tpu.memory_space<vmem>>[vector<16xi32>], vector<16xf32>,
      %get3A_268 = arith.index_cast %rem3A_222 : i32 to index
      %get3A_269 = arith.constant 16 : index
      %get3A_270 = tpu.vector_load %arg12[%get3A_268, %get3A_269] {strides = array<i32>} : memref<4x128xi32, #tpu.memory_space<vmem>>, vector<16xi32>,
      tpu.vector_store_idx %arg15[%get3A_270], %broadcast_in_dim3A_7 {add = true} : memref<10240xf32, #tpu.memory_space<vmem>>[vector<16xi32>], vector<16xf32>,
      %get3A_271 = arith.index_cast %rem3A_222 : i32 to index
      %get3A_272 = arith.constant 32 : index
      %get3A_273 = tpu.vector_load %arg12[%get3A_271, %get3A_272] {strides = array<i32>} : memref<4x128xi32, #tpu.memory_space<vmem>>, vector<16xi32>,
      tpu.vector_store_idx %arg15[%get3A_273], %broadcast_in_dim3A_7 {add = true} : memref<10240xf32, #tpu.memory_space<vmem>>[vector<16xi32>], vector<16xf32>,
      %get3A_274 = arith.index_cast %rem3A_222 : i32 to index
      %get3A_275 = arith.constant 48 : index
      %get3A_276 = tpu.vector_load %arg12[%get3A_274, %get3A_275] {strides = array<i32>} : memref<4x128xi32, #tpu.memory_space<vmem>>, vector<16xi32>,
      tpu.vector_store_idx %arg15[%get3A_276], %broadcast_in_dim3A_7 {add = true} : memref<10240xf32, #tpu.memory_space<vmem>>[vector<16xi32>], vector<16xf32>,
      %get3A_277 = arith.index_cast %rem3A_222 : i32 to index
      %get3A_278 = arith.constant 64 : index
      %get3A_279 = tpu.vector_load %arg12[%get3A_277, %get3A_278] {strides = array<i32>} : memref<4x128xi32, #tpu.memory_space<vmem>>, vector<16xi32>,
      tpu.vector_store_idx %arg15[%get3A_279], %broadcast_in_dim3A_7 {add = true} : memref<10240xf32, #tpu.memory_space<vmem>>[vector<16xi32>], vector<16xf32>,
      %get3A_280 = arith.index_cast %rem3A_222 : i32 to index
      %get3A_281 = arith.constant 80 : index
      %get3A_282 = tpu.vector_load %arg12[%get3A_280, %get3A_281] {strides = array<i32>} : memref<4x128xi32, #tpu.memory_space<vmem>>, vector<16xi32>,
      tpu.vector_store_idx %arg15[%get3A_282], %broadcast_in_dim3A_7 {add = true} : memref<10240xf32, #tpu.memory_space<vmem>>[vector<16xi32>], vector<16xf32>,
      %get3A_283 = arith.index_cast %rem3A_222 : i32 to index
      %get3A_284 = arith.constant 96 : index
      %get3A_285 = tpu.vector_load %arg12[%get3A_283, %get3A_284] {strides = array<i32>} : memref<4x128xi32, #tpu.memory_space<vmem>>, vector<16xi32>,
      tpu.vector_store_idx %arg15[%get3A_285], %broadcast_in_dim3A_7 {add = true} : memref<10240xf32, #tpu.memory_space<vmem>>[vector<16xi32>], vector<16xf32>,
      %get3A_286 = arith.index_cast %rem3A_222 : i32 to index
      %get3A_287 = arith.constant 112 : index
      %get3A_288 = tpu.vector_load %arg12[%get3A_286, %get3A_287] {strides = array<i32>} : memref<4x128xi32, #tpu.memory_space<vmem>>, vector<16xi32>,
      tpu.vector_store_idx %arg15[%get3A_288], %broadcast_in_dim3A_7 {add = true} : memref<10240xf32, #tpu.memory_space<vmem>>[vector<16xi32>], vector<16xf32>,
    }
    %scan3A_126 = arith.constant 80 : i32
    %dma_wait3A_127 = arith.constant 1 : i32
    %dma_wait3A_128 = arith.constant 3 : i32
    %dma_wait3A_129 = arith.constant 0 : i32
    %dma_wait3A_130 = arith.constant 0 : i32
    %dma_wait3A_131 = tpu.memref_slice %arg14[%dma_wait3A_127, %dma_wait3A_129, %dma_wait3A_130] : memref<2x128x128xf32, #tpu.memory_space<vmem>> -> memref<1x128x128xf32, #tpu.memory_space<vmem>>
    %dma_wait3A_132 = tpu.memref_squeeze %dma_wait3A_131 : memref<1x128x128xf32, #tpu.memory_space<vmem>> -> memref<128x128xf32, #tpu.memory_space<vmem>>
    %dma_wait3A_133 = arith.constant 0 : i32
    %dma_wait3A_134 = tpu.memref_slice %arg12[%dma_wait3A_128, %dma_wait3A_133] : memref<4x128xi32, #tpu.memory_space<vmem>> -> memref<1x128xi32, #tpu.memory_space<vmem>>
    %dma_wait3A_135 = tpu.memref_squeeze %dma_wait3A_134 : memref<1x128xi32, #tpu.memory_space<vmem>> -> memref<128xi32, #tpu.memory_space<vmem>>
    %dma_wait3A_136 = arith.constant 0 : i32
    %dma_wait3A_137 = arith.constant 0 : i32
    %dma_wait3A_138 = tpu.memref_slice %arg10[%dma_wait3A_136, %dma_wait3A_137] : memref<10240x128xf32, #tpu.memory_space<vmem_shared>> -> memref<10240x128xf32, #tpu.memory_space<vmem_shared>>
    tpu.wait_indirect_dma semaphore(%arg17 : memref<!tpu.dma_semaphore, #tpu.memory_space<semaphore_mem>>) src(%dma_wait3A_132 : memref<128x128xf32, #tpu.memory_space<vmem>>) dst(%dma_wait3A_138 : memref<10240x128xf32, #tpu.memory_space<vmem_shared>>)
    %barrier3A_139 = arith.constant 0 : index
    tpu.barrier barrier_id(%barrier3A_139)
    %dma_start3A_140 = arith.constant 0 : i32
    %dma_start3A_141 = arith.constant 0 : i32
    %dma_start3A_142 = arith.constant 0 : i32
    %dma_start3A_143 = tpu.memref_slice %arg14[%dma_start3A_140, %dma_start3A_141, %dma_start3A_142] : memref<2x128x128xf32, #tpu.memory_space<vmem>> -> memref<1x128x128xf32, #tpu.memory_space<vmem>>
    %dma_start3A_144 = tpu.memref_squeeze %dma_start3A_143 : memref<1x128x128xf32, #tpu.memory_space<vmem>> -> memref<128x128xf32, #tpu.memory_space<vmem>>
    %dma_start3A_145 = arith.constant 0 : i32
    %dma_start3A_146 = tpu.memref_slice %arg13[%dma_start3A_145] : memref<320xi32, #tpu.memory_space<vmem>> -> memref<128xi32, #tpu.memory_space<vmem>>
    %dma_start3A_147 = arith.constant 0 : i32
    %dma_start3A_148 = arith.constant 0 : i32
    %dma_start3A_149 = tpu.memref_slice %arg6[%dma_start3A_147, %dma_start3A_148] : memref<100000x128xf32, #tpu.memory_space<hbm>> -> memref<100000x128xf32, #tpu.memory_space<hbm>>
    tpu.enqueue_indirect_dma source(%dma_start3A_149 : memref<100000x128xf32, #tpu.memory_space<hbm>>) target(%dma_start3A_144 : memref<128x128xf32, #tpu.memory_space<vmem>>) offsets(%dma_start3A_146 : memref<128xi32, #tpu.memory_space<vmem>>) semaphore(%arg16 : memref<!tpu.dma_semaphore, #tpu.memory_space<semaphore_mem>>)
    %dma_wait3A_150 = arith.constant 0 : i32
    %dma_wait3A_151 = arith.constant 0 : i32
    %dma_wait3A_152 = arith.constant 0 : i32
    %dma_wait3A_153 = tpu.memref_slice %arg14[%dma_wait3A_150, %dma_wait3A_151, %dma_wait3A_152] : memref<2x128x128xf32, #tpu.memory_space<vmem>> -> memref<1x128x128xf32, #tpu.memory_space<vmem>>
    %dma_wait3A_154 = tpu.memref_squeeze %dma_wait3A_153 : memref<1x128x128xf32, #tpu.memory_space<vmem>> -> memref<128x128xf32, #tpu.memory_space<vmem>>
    %dma_wait3A_155 = arith.constant 0 : i32
    %dma_wait3A_156 = tpu.memref_slice %arg13[%dma_wait3A_155] : memref<320xi32, #tpu.memory_space<vmem>> -> memref<128xi32, #tpu.memory_space<vmem>>
    %dma_wait3A_157 = arith.constant 0 : i32
    %dma_wait3A_158 = arith.constant 0 : i32
    %dma_wait3A_159 = tpu.memref_slice %arg6[%dma_wait3A_157, %dma_wait3A_158] : memref<100000x128xf32, #tpu.memory_space<hbm>> -> memref<100000x128xf32, #tpu.memory_space<hbm>>
    tpu.wait_indirect_dma semaphore(%arg16 : memref<!tpu.dma_semaphore, #tpu.memory_space<semaphore_mem>>) src(%dma_wait3A_159 : memref<100000x128xf32, #tpu.memory_space<hbm>>) dst(%dma_wait3A_154 : memref<128x128xf32, #tpu.memory_space<vmem>>)
    %mul3A_160 = arith.constant 320 : i32
    %mul3A_161 = arith.muli %add3A, %mul3A_160 : i32
    %add3A_162 = arith.constant 0 : i32
    %add3A_163 = arith.addi %mul3A_161, %add3A_162 : i32
    %run_scoped3A_164 = arith.constant 0 : i32
    "tpu.region"() ({
      %run_scoped3A_219 = tpu.sem_alloc : memref<!tpu.dma_semaphore, #tpu.memory_space<semaphore_mem>>
      %dma_start3A_220 = arith.constant 0 : i32
      %dma_start3A_221 = arith.constant 0 : i32
      %dma_start3A_222 = tpu.memref_slice %arg14[%run_scoped3A_164, %dma_start3A_220, %dma_start3A_221] : memref<2x128x128xf32, #tpu.memory_space<vmem>> -> memref<1x128x128xf32, #tpu.memory_space<vmem>>
      %dma_start3A_223 = tpu.memref_squeeze %dma_start3A_222 : memref<1x128x128xf32, #tpu.memory_space<vmem>> -> memref<128x128xf32, #tpu.memory_space<vmem>>
      %dma_start3A_224 = arith.constant 0 : i32
      %dma_start3A_225 = tpu.memref_slice %arg9[%add3A_163, %dma_start3A_224] : memref<10240x128xf32, #tpu.memory_space<hbm>> -> memref<128x128xf32, #tpu.memory_space<hbm>>
      %dma_start3A_226 = arith.constant 0 : i32
      %dma_start3A_227 = tpu.memref_slice %arg9[%add3A_163, %dma_start3A_226] : memref<10240x128xf32, #tpu.memory_space<hbm>> -> memref<128x128xf32, #tpu.memory_space<hbm>>
      %dma_start3A_228 = arith.constant 0 : i32
      %dma_start3A_229 = arith.constant 0 : i32
      %dma_start3A_230 = tpu.memref_slice %arg14[%run_scoped3A_164, %dma_start3A_228, %dma_start3A_229] : memref<2x128x128xf32, #tpu.memory_space<vmem>> -> memref<1x128x128xf32, #tpu.memory_space<vmem>>
      %dma_start3A_231 = tpu.memref_squeeze %dma_start3A_230 : memref<1x128x128xf32, #tpu.memory_space<vmem>> -> memref<128x128xf32, #tpu.memory_space<vmem>>
      tpu.enqueue_dma source(%dma_start3A_231 : memref<128x128xf32, #tpu.memory_space<vmem>>) target(%dma_start3A_227 : memref<128x128xf32, #tpu.memory_space<hbm>>) target_semaphore(%run_scoped3A_219 : memref<!tpu.dma_semaphore, #tpu.memory_space<semaphore_mem>>)
      %dma_wait3A_232 = arith.constant 0 : i32
      %dma_wait3A_233 = arith.constant 0 : i32
      %dma_wait3A_234 = tpu.memref_slice %arg14[%run_scoped3A_164, %dma_wait3A_232, %dma_wait3A_233] : memref<2x128x128xf32, #tpu.memory_space<vmem>> -> memref<1x128x128xf32, #tpu.memory_space<vmem>>
      %dma_wait3A_235 = tpu.memref_squeeze %dma_wait3A_234 : memref<1x128x128xf32, #tpu.memory_space<vmem>> -> memref<128x128xf32, #tpu.memory_space<vmem>>
      %dma_wait3A_236 = arith.constant 0 : i32
      %dma_wait3A_237 = tpu.memref_slice %arg9[%add3A_163, %dma_wait3A_236] : memref<10240x128xf32, #tpu.memory_space<hbm>> -> memref<128x128xf32, #tpu.memory_space<hbm>>
      %dma_wait3A_238 = arith.constant 0 : i32
      %dma_wait3A_239 = tpu.memref_slice %arg9[%add3A_163, %dma_wait3A_238] : memref<10240x128xf32, #tpu.memory_space<hbm>> -> memref<128x128xf32, #tpu.memory_space<hbm>>
      %dma_wait3A_240 = arith.constant 0 : i32
      %dma_wait3A_241 = arith.constant 0 : i32
      %dma_wait3A_242 = tpu.memref_slice %arg14[%run_scoped3A_164, %dma_wait3A_240, %dma_wait3A_241] : memref<2x128x128xf32, #tpu.memory_space<vmem>> -> memref<1x128x128xf32, #tpu.memory_space<vmem>>
      %dma_wait3A_243 = tpu.memref_squeeze %dma_wait3A_242 : memref<1x128x128xf32, #tpu.memory_space<vmem>> -> memref<128x128xf32, #tpu.memory_space<vmem>>
      tpu.wait_dma2 semaphore(%run_scoped3A_219 : memref<!tpu.dma_semaphore, #tpu.memory_space<semaphore_mem>>) src(%dma_wait3A_243 : memref<128x128xf32, #tpu.memory_space<vmem>>) dst(%dma_wait3A_239 : memref<128x128xf32, #tpu.memory_space<hbm>>)
      tpu.yield
    }) : () -> ()
    %dma_start3A_165 = arith.constant 0 : i32
    %dma_start3A_166 = arith.constant 0 : i32
    %dma_start3A_167 = arith.constant 0 : i32
    %dma_start3A_168 = tpu.memref_slice %arg14[%dma_start3A_165, %dma_start3A_166, %dma_start3A_167] : memref<2x128x128xf32, #tpu.memory_space<vmem>> -> memref<1x128x128xf32, #tpu.memory_space<vmem>>
    %dma_start3A_169 = tpu.memref_squeeze %dma_start3A_168 : memref<1x128x128xf32, #tpu.memory_space<vmem>> -> memref<128x128xf32, #tpu.memory_space<vmem>>
    %dma_start3A_170 = arith.constant 128 : i32
    %dma_start3A_171 = tpu.memref_slice %arg13[%dma_start3A_170] : memref<320xi32, #tpu.memory_space<vmem>> -> memref<128xi32, #tpu.memory_space<vmem>>
    %dma_start3A_172 = arith.constant 0 : i32
    %dma_start3A_173 = arith.constant 0 : i32
    %dma_start3A_174 = tpu.memref_slice %arg6[%dma_start3A_172, %dma_start3A_173] : memref<100000x128xf32, #tpu.memory_space<hbm>> -> memref<100000x128xf32, #tpu.memory_space<hbm>>
    tpu.enqueue_indirect_dma source(%dma_start3A_174 : memref<100000x128xf32, #tpu.memory_space<hbm>>) target(%dma_start3A_169 : memref<128x128xf32, #tpu.memory_space<vmem>>) offsets(%dma_start3A_171 : memref<128xi32, #tpu.memory_space<vmem>>) semaphore(%arg16 : memref<!tpu.dma_semaphore, #tpu.memory_space<semaphore_mem>>)
    %dma_wait3A_175 = arith.constant 0 : i32
    %dma_wait3A_176 = arith.constant 0 : i32
    %dma_wait3A_177 = arith.constant 0 : i32
    %dma_wait3A_178 = tpu.memref_slice %arg14[%dma_wait3A_175, %dma_wait3A_176, %dma_wait3A_177] : memref<2x128x128xf32, #tpu.memory_space<vmem>> -> memref<1x128x128xf32, #tpu.memory_space<vmem>>
    %dma_wait3A_179 = tpu.memref_squeeze %dma_wait3A_178 : memref<1x128x128xf32, #tpu.memory_space<vmem>> -> memref<128x128xf32, #tpu.memory_space<vmem>>
    %dma_wait3A_180 = arith.constant 128 : i32
    %dma_wait3A_181 = tpu.memref_slice %arg13[%dma_wait3A_180] : memref<320xi32, #tpu.memory_space<vmem>> -> memref<128xi32, #tpu.memory_space<vmem>>
    %dma_wait3A_182 = arith.constant 0 : i32
    %dma_wait3A_183 = arith.constant 0 : i32
    %dma_wait3A_184 = tpu.memref_slice %arg6[%dma_wait3A_182, %dma_wait3A_183] : memref<100000x128xf32, #tpu.memory_space<hbm>> -> memref<100000x128xf32, #tpu.memory_space<hbm>>
    tpu.wait_indirect_dma semaphore(%arg16 : memref<!tpu.dma_semaphore, #tpu.memory_space<semaphore_mem>>) src(%dma_wait3A_184 : memref<100000x128xf32, #tpu.memory_space<hbm>>) dst(%dma_wait3A_179 : memref<128x128xf32, #tpu.memory_space<vmem>>)
    %mul3A_185 = arith.constant 320 : i32
    %mul3A_186 = arith.muli %add3A, %mul3A_185 : i32
    %add3A_187 = arith.constant 128 : i32
    %add3A_188 = arith.addi %mul3A_186, %add3A_187 : i32
    %run_scoped3A_189 = arith.constant 0 : i32
    "tpu.region"() ({
      %run_scoped3A_219 = tpu.sem_alloc : memref<!tpu.dma_semaphore, #tpu.memory_space<semaphore_mem>>
      %dma_start3A_220 = arith.constant 0 : i32
      %dma_start3A_221 = arith.constant 0 : i32
      %dma_start3A_222 = tpu.memref_slice %arg14[%run_scoped3A_189, %dma_start3A_220, %dma_start3A_221] : memref<2x128x128xf32, #tpu.memory_space<vmem>> -> memref<1x128x128xf32, #tpu.memory_space<vmem>>
      %dma_start3A_223 = tpu.memref_squeeze %dma_start3A_222 : memref<1x128x128xf32, #tpu.memory_space<vmem>> -> memref<128x128xf32, #tpu.memory_space<vmem>>
      %dma_start3A_224 = arith.constant 0 : i32
      %dma_start3A_225 = tpu.memref_slice %arg9[%add3A_188, %dma_start3A_224] : memref<10240x128xf32, #tpu.memory_space<hbm>> -> memref<128x128xf32, #tpu.memory_space<hbm>>
      %dma_start3A_226 = arith.constant 0 : i32
      %dma_start3A_227 = tpu.memref_slice %arg9[%add3A_188, %dma_start3A_226] : memref<10240x128xf32, #tpu.memory_space<hbm>> -> memref<128x128xf32, #tpu.memory_space<hbm>>
      %dma_start3A_228 = arith.constant 0 : i32
      %dma_start3A_229 = arith.constant 0 : i32
      %dma_start3A_230 = tpu.memref_slice %arg14[%run_scoped3A_189, %dma_start3A_228, %dma_start3A_229] : memref<2x128x128xf32, #tpu.memory_space<vmem>> -> memref<1x128x128xf32, #tpu.memory_space<vmem>>
      %dma_start3A_231 = tpu.memref_squeeze %dma_start3A_230 : memref<1x128x128xf32, #tpu.memory_space<vmem>> -> memref<128x128xf32, #tpu.memory_space<vmem>>
      tpu.enqueue_dma source(%dma_start3A_231 : memref<128x128xf32, #tpu.memory_space<vmem>>) target(%dma_start3A_227 : memref<128x128xf32, #tpu.memory_space<hbm>>) target_semaphore(%run_scoped3A_219 : memref<!tpu.dma_semaphore, #tpu.memory_space<semaphore_mem>>)
      %dma_wait3A_232 = arith.constant 0 : i32
      %dma_wait3A_233 = arith.constant 0 : i32
      %dma_wait3A_234 = tpu.memref_slice %arg14[%run_scoped3A_189, %dma_wait3A_232, %dma_wait3A_233] : memref<2x128x128xf32, #tpu.memory_space<vmem>> -> memref<1x128x128xf32, #tpu.memory_space<vmem>>
      %dma_wait3A_235 = tpu.memref_squeeze %dma_wait3A_234 : memref<1x128x128xf32, #tpu.memory_space<vmem>> -> memref<128x128xf32, #tpu.memory_space<vmem>>
      %dma_wait3A_236 = arith.constant 0 : i32
      %dma_wait3A_237 = tpu.memref_slice %arg9[%add3A_188, %dma_wait3A_236] : memref<10240x128xf32, #tpu.memory_space<hbm>> -> memref<128x128xf32, #tpu.memory_space<hbm>>
      %dma_wait3A_238 = arith.constant 0 : i32
      %dma_wait3A_239 = tpu.memref_slice %arg9[%add3A_188, %dma_wait3A_238] : memref<10240x128xf32, #tpu.memory_space<hbm>> -> memref<128x128xf32, #tpu.memory_space<hbm>>
      %dma_wait3A_240 = arith.constant 0 : i32
      %dma_wait3A_241 = arith.constant 0 : i32
      %dma_wait3A_242 = tpu.memref_slice %arg14[%run_scoped3A_189, %dma_wait3A_240, %dma_wait3A_241] : memref<2x128x128xf32, #tpu.memory_space<vmem>> -> memref<1x128x128xf32, #tpu.memory_space<vmem>>
      %dma_wait3A_243 = tpu.memref_squeeze %dma_wait3A_242 : memref<1x128x128xf32, #tpu.memory_space<vmem>> -> memref<128x128xf32, #tpu.memory_space<vmem>>
      tpu.wait_dma2 semaphore(%run_scoped3A_219 : memref<!tpu.dma_semaphore, #tpu.memory_space<semaphore_mem>>) src(%dma_wait3A_243 : memref<128x128xf32, #tpu.memory_space<vmem>>) dst(%dma_wait3A_239 : memref<128x128xf32, #tpu.memory_space<hbm>>)
      tpu.yield
    }) : () -> ()
    %dma_start3A_190 = arith.constant 0 : i32
    %dma_start3A_191 = arith.constant 0 : i32
    %dma_start3A_192 = arith.constant 0 : i32
    %dma_start3A_193 = tpu.memref_slice %arg14[%dma_start3A_190, %dma_start3A_191, %dma_start3A_192] : memref<2x128x128xf32, #tpu.memory_space<vmem>> -> memref<1x64x128xf32, #tpu.memory_space<vmem>>
    %dma_start3A_194 = tpu.memref_squeeze %dma_start3A_193 : memref<1x64x128xf32, #tpu.memory_space<vmem>> -> memref<64x128xf32, #tpu.memory_space<vmem>>
    %dma_start3A_195 = arith.constant 256 : i32
    %dma_start3A_196 = tpu.memref_slice %arg13[%dma_start3A_195] : memref<320xi32, #tpu.memory_space<vmem>> -> memref<64xi32, #tpu.memory_space<vmem>>
    %dma_start3A_197 = arith.constant 0 : i32
    %dma_start3A_198 = arith.constant 0 : i32
    %dma_start3A_199 = tpu.memref_slice %arg6[%dma_start3A_197, %dma_start3A_198] : memref<100000x128xf32, #tpu.memory_space<hbm>> -> memref<100000x128xf32, #tpu.memory_space<hbm>>
    tpu.enqueue_indirect_dma source(%dma_start3A_199 : memref<100000x128xf32, #tpu.memory_space<hbm>>) target(%dma_start3A_194 : memref<64x128xf32, #tpu.memory_space<vmem>>) offsets(%dma_start3A_196 : memref<64xi32, #tpu.memory_space<vmem>>) semaphore(%arg16 : memref<!tpu.dma_semaphore, #tpu.memory_space<semaphore_mem>>)
    %dma_wait3A_200 = arith.constant 0 : i32
    %dma_wait3A_201 = arith.constant 0 : i32
    %dma_wait3A_202 = arith.constant 0 : i32
    %dma_wait3A_203 = tpu.memref_slice %arg14[%dma_wait3A_200, %dma_wait3A_201, %dma_wait3A_202] : memref<2x128x128xf32, #tpu.memory_space<vmem>> -> memref<1x64x128xf32, #tpu.memory_space<vmem>>
    %dma_wait3A_204 = tpu.memref_squeeze %dma_wait3A_203 : memref<1x64x128xf32, #tpu.memory_space<vmem>> -> memref<64x128xf32, #tpu.memory_space<vmem>>
    %dma_wait3A_205 = arith.constant 256 : i32
    %dma_wait3A_206 = tpu.memref_slice %arg13[%dma_wait3A_205] : memref<320xi32, #tpu.memory_space<vmem>> -> memref<64xi32, #tpu.memory_space<vmem>>
    %dma_wait3A_207 = arith.constant 0 : i32
    %dma_wait3A_208 = arith.constant 0 : i32
    %dma_wait3A_209 = tpu.memref_slice %arg6[%dma_wait3A_207, %dma_wait3A_208] : memref<100000x128xf32, #tpu.memory_space<hbm>> -> memref<100000x128xf32, #tpu.memory_space<hbm>>
    tpu.wait_indirect_dma semaphore(%arg16 : memref<!tpu.dma_semaphore, #tpu.memory_space<semaphore_mem>>) src(%dma_wait3A_209 : memref<100000x128xf32, #tpu.memory_space<hbm>>) dst(%dma_wait3A_204 : memref<64x128xf32, #tpu.memory_space<vmem>>)
    %mul3A_210 = arith.constant 320 : i32
    %mul3A_211 = arith.muli %add3A, %mul3A_210 : i32
    %add3A_212 = arith.constant 256 : i32
    %add3A_213 = arith.addi %mul3A_211, %add3A_212 : i32
    %run_scoped3A_214 = arith.constant 0 : i32
    "tpu.region"() ({
      %run_scoped3A_219 = tpu.sem_alloc : memref<!tpu.dma_semaphore, #tpu.memory_space<semaphore_mem>>
      %dma_start3A_220 = arith.constant 0 : i32
      %dma_start3A_221 = arith.constant 0 : i32
      %dma_start3A_222 = tpu.memref_slice %arg14[%run_scoped3A_214, %dma_start3A_220, %dma_start3A_221] : memref<2x128x128xf32, #tpu.memory_space<vmem>> -> memref<1x64x128xf32, #tpu.memory_space<vmem>>
      %dma_start3A_223 = tpu.memref_squeeze %dma_start3A_222 : memref<1x64x128xf32, #tpu.memory_space<vmem>> -> memref<64x128xf32, #tpu.memory_space<vmem>>
      %dma_start3A_224 = arith.constant 0 : i32
      %dma_start3A_225 = tpu.memref_slice %arg9[%add3A_213, %dma_start3A_224] : memref<10240x128xf32, #tpu.memory_space<hbm>> -> memref<64x128xf32, #tpu.memory_space<hbm>>
      %dma_start3A_226 = arith.constant 0 : i32
      %dma_start3A_227 = tpu.memref_slice %arg9[%add3A_213, %dma_start3A_226] : memref<10240x128xf32, #tpu.memory_space<hbm>> -> memref<64x128xf32, #tpu.memory_space<hbm>>
      %dma_start3A_228 = arith.constant 0 : i32
      %dma_start3A_229 = arith.constant 0 : i32
      %dma_start3A_230 = tpu.memref_slice %arg14[%run_scoped3A_214, %dma_start3A_228, %dma_start3A_229] : memref<2x128x128xf32, #tpu.memory_space<vmem>> -> memref<1x64x128xf32, #tpu.memory_space<vmem>>
      %dma_start3A_231 = tpu.memref_squeeze %dma_start3A_230 : memref<1x64x128xf32, #tpu.memory_space<vmem>> -> memref<64x128xf32, #tpu.memory_space<vmem>>
      tpu.enqueue_dma source(%dma_start3A_231 : memref<64x128xf32, #tpu.memory_space<vmem>>) target(%dma_start3A_227 : memref<64x128xf32, #tpu.memory_space<hbm>>) target_semaphore(%run_scoped3A_219 : memref<!tpu.dma_semaphore, #tpu.memory_space<semaphore_mem>>)
      %dma_wait3A_232 = arith.constant 0 : i32
      %dma_wait3A_233 = arith.constant 0 : i32
      %dma_wait3A_234 = tpu.memref_slice %arg14[%run_scoped3A_214, %dma_wait3A_232, %dma_wait3A_233] : memref<2x128x128xf32, #tpu.memory_space<vmem>> -> memref<1x64x128xf32, #tpu.memory_space<vmem>>
      %dma_wait3A_235 = tpu.memref_squeeze %dma_wait3A_234 : memref<1x64x128xf32, #tpu.memory_space<vmem>> -> memref<64x128xf32, #tpu.memory_space<vmem>>
      %dma_wait3A_236 = arith.constant 0 : i32
      %dma_wait3A_237 = tpu.memref_slice %arg9[%add3A_213, %dma_wait3A_236] : memref<10240x128xf32, #tpu.memory_space<hbm>> -> memref<64x128xf32, #tpu.memory_space<hbm>>
      %dma_wait3A_238 = arith.constant 0 : i32
      %dma_wait3A_239 = tpu.memref_slice %arg9[%add3A_213, %dma_wait3A_238] : memref<10240x128xf32, #tpu.memory_space<hbm>> -> memref<64x128xf32, #tpu.memory_space<hbm>>
      %dma_wait3A_240 = arith.constant 0 : i32
      %dma_wait3A_241 = arith.constant 0 : i32
      %dma_wait3A_242 = tpu.memref_slice %arg14[%run_scoped3A_214, %dma_wait3A_240, %dma_wait3A_241] : memref<2x128x128xf32, #tpu.memory_space<vmem>> -> memref<1x64x128xf32, #tpu.memory_space<vmem>>
      %dma_wait3A_243 = tpu.memref_squeeze %dma_wait3A_242 : memref<1x64x128xf32, #tpu.memory_space<vmem>> -> memref<64x128xf32, #tpu.memory_space<vmem>>
      tpu.wait_dma2 semaphore(%run_scoped3A_219 : memref<!tpu.dma_semaphore, #tpu.memory_space<semaphore_mem>>) src(%dma_wait3A_243 : memref<64x128xf32, #tpu.memory_space<vmem>>) dst(%dma_wait3A_239 : memref<64x128xf32, #tpu.memory_space<hbm>>)
      tpu.yield
    }) : () -> ()
    %mul3A_215 = arith.constant 640 : i32
    %mul3A_216 = arith.muli %arg1, %mul3A_215 : i32
    %mul3A_217 = arith.constant 640 : i32
    %mul3A_218 = arith.muli %arg1, %mul3A_217 : i32
    "tpu.region"() ({
      %run_scoped3A_219 = tpu.sem_alloc : memref<!tpu.dma_semaphore, #tpu.memory_space<semaphore_mem>>
      %dma_start3A_220 = arith.constant 0 : i32
      %dma_start3A_221 = tpu.memref_slice %arg7[%arg0, %mul3A_218, %dma_start3A_220] : memref<2x10240x128xf32, #tpu.memory_space<hbm>> -> memref<1x640x128xf32, #tpu.memory_space<hbm>>
      %dma_start3A_222 = tpu.memref_squeeze %dma_start3A_221 : memref<1x640x128xf32, #tpu.memory_space<hbm>> -> memref<640x128xf32, #tpu.memory_space<hbm>>
      %dma_start3A_223 = arith.constant 0 : i32
      %dma_start3A_224 = tpu.memref_slice %arg10[%mul3A_216, %dma_start3A_223] : memref<10240x128xf32, #tpu.memory_space<vmem_shared>> -> memref<640x128xf32, #tpu.memory_space<vmem_shared>>
      tpu.enqueue_dma source(%dma_start3A_224 : memref<640x128xf32, #tpu.memory_space<vmem_shared>>) target(%dma_start3A_222 : memref<640x128xf32, #tpu.memory_space<hbm>>) target_semaphore(%run_scoped3A_219 : memref<!tpu.dma_semaphore, #tpu.memory_space<semaphore_mem>>)
      %dma_wait3A_225 = arith.constant 0 : i32
      %dma_wait3A_226 = tpu.memref_slice %arg7[%arg0, %mul3A_218, %dma_wait3A_225] : memref<2x10240x128xf32, #tpu.memory_space<hbm>> -> memref<1x640x128xf32, #tpu.memory_space<hbm>>
      %dma_wait3A_227 = tpu.memref_squeeze %dma_wait3A_226 : memref<1x640x128xf32, #tpu.memory_space<hbm>> -> memref<640x128xf32, #tpu.memory_space<hbm>>
      %dma_wait3A_228 = arith.constant 0 : i32
      %dma_wait3A_229 = tpu.memref_slice %arg10[%mul3A_216, %dma_wait3A_228] : memref<10240x128xf32, #tpu.memory_space<vmem_shared>> -> memref<640x128xf32, #tpu.memory_space<vmem_shared>>
      tpu.wait_dma2 semaphore(%run_scoped3A_219 : memref<!tpu.dma_semaphore, #tpu.memory_space<semaphore_mem>>) src(%dma_wait3A_229 : memref<640x128xf32, #tpu.memory_space<vmem_shared>>) dst(%dma_wait3A_227 : memref<640x128xf32, #tpu.memory_space<hbm>>)
      tpu.yield
    }) : () -> ()
    "tpu.region"() ({
      %run_scoped3A_219 = tpu.sem_alloc : memref<!tpu.dma_semaphore, #tpu.memory_space<semaphore_mem>>
      %dma_start3A_220 = arith.constant 0 : i32
      %dma_start3A_221 = tpu.memref_slice %arg8[%add3A, %dma_start3A_220] : memref<32x10240xf32, #tpu.memory_space<hbm>> -> memref<1x10240xf32, #tpu.memory_space<hbm>>
      %dma_start3A_222 = tpu.memref_squeeze %dma_start3A_221 : memref<1x10240xf32, #tpu.memory_space<hbm>> -> memref<10240xf32, #tpu.memory_space<hbm>>
      %dma_start3A_223 = arith.constant 0 : i32
      %dma_start3A_224 = tpu.memref_slice %arg8[%add3A, %dma_start3A_223] : memref<32x10240xf32, #tpu.memory_space<hbm>> -> memref<1x10240xf32, #tpu.memory_space<hbm>>
      %dma_start3A_225 = tpu.memref_squeeze %dma_start3A_224 : memref<1x10240xf32, #tpu.memory_space<hbm>> -> memref<10240xf32, #tpu.memory_space<hbm>>
      tpu.enqueue_dma source(%arg15 : memref<10240xf32, #tpu.memory_space<vmem>>) target(%dma_start3A_225 : memref<10240xf32, #tpu.memory_space<hbm>>) target_semaphore(%run_scoped3A_219 : memref<!tpu.dma_semaphore, #tpu.memory_space<semaphore_mem>>)
      %dma_wait3A_226 = arith.constant 0 : i32
      %dma_wait3A_227 = tpu.memref_slice %arg8[%add3A, %dma_wait3A_226] : memref<32x10240xf32, #tpu.memory_space<hbm>> -> memref<1x10240xf32, #tpu.memory_space<hbm>>
      %dma_wait3A_228 = tpu.memref_squeeze %dma_wait3A_227 : memref<1x10240xf32, #tpu.memory_space<hbm>> -> memref<10240xf32, #tpu.memory_space<hbm>>
      %dma_wait3A_229 = arith.constant 0 : i32
      %dma_wait3A_230 = tpu.memref_slice %arg8[%add3A, %dma_wait3A_229] : memref<32x10240xf32, #tpu.memory_space<hbm>> -> memref<1x10240xf32, #tpu.memory_space<hbm>>
      %dma_wait3A_231 = tpu.memref_squeeze %dma_wait3A_230 : memref<1x10240xf32, #tpu.memory_space<hbm>> -> memref<10240xf32, #tpu.memory_space<hbm>>
      tpu.wait_dma2 semaphore(%run_scoped3A_219 : memref<!tpu.dma_semaphore, #tpu.memory_space<semaphore_mem>>) src(%arg15 : memref<10240xf32, #tpu.memory_space<vmem>>) dst(%dma_wait3A_231 : memref<10240xf32, #tpu.memory_space<hbm>>)
      tpu.yield
    }) : () -> ()
    return
  }
}

module attributes {stable_mosaic.version = 14 : i64} {
  func.func @_mm_body(%arg0: i32, %arg1: memref<10000x128xf32, #tpu.memory_space<vmem>>, %arg2: memref<128x128xf32, #tpu.memory_space<vmem>>, %arg3: memref<10000x128xf32, #tpu.memory_space<vmem>>) attributes {dimension_semantics = [#tpu.dimension_semantics<arbitrary>], iteration_bounds = array<i64: 2>, scalar_prefetch = 0 : i64, scratch_operands = 0 : i64, tpu.core_type = #tpu.core_type<tc>, window_params = [{pipeline_mode = #tpu.pipeline_mode<synchronous>, transform_indices = @transform_0, window_bounds = array<i64: 10000, 128>}, {pipeline_mode = #tpu.pipeline_mode<synchronous>, transform_indices = @transform_1, window_bounds = array<i64: 128, 128>}, {transform_indices = @transform_2, window_bounds = array<i64: 10000, 128>}]} {
    %get3A = arith.constant 0 : index
    %get3A_0 = arith.constant 0 : index
    %get3A_1 = vector.load %arg1[%get3A, %get3A_0] : memref<10000x128xf32, #tpu.memory_space<vmem>>, vector<10000x128xf32>
    %get3A_2 = arith.constant 0 : index
    %get3A_3 = arith.constant 0 : index
    %get3A_4 = vector.load %arg2[%get3A_2, %get3A_3] : memref<128x128xf32, #tpu.memory_space<vmem>>, vector<128x128xf32>
    %dot_general3A = arith.constant dense<0.000000e+00> : vector<10000x128xf32>
    %dot_general3A_5 = tpu.matmul %get3A_1, %get3A_4, %dot_general3A {dimension_numbers = #tpu.dot_dimension_numbers<[1], [0], [0], [1], [0, 0, 1, 1], [], []>, transpose_lhs_hint = false} : vector<10000x128xf32>, vector<128x128xf32>, vector<10000x128xf32> -> vector<10000x128xf32>
    %swap3A = arith.constant 0 : index
    %swap3A_6 = arith.constant 0 : index
    %swap3A_7 = vector.load %arg3[%swap3A, %swap3A_6] : memref<10000x128xf32, #tpu.memory_space<vmem>>, vector<10000x128xf32>
    tpu.vector_store %arg3[%swap3A, %swap3A_6], %dot_general3A_5 {strides = array<i32>} : memref<10000x128xf32, #tpu.memory_space<vmem>>, vector<10000x128xf32>,
    return
  }
  func.func @transform_0(%arg0: i32) -> (i32, i32) {
    %c0_i32 = arith.constant 0 : i32
    %c0_i32_0 = arith.constant 0 : i32
    %c0_i32_1 = arith.constant 0 : i32
    return %c0_i32, %c0_i32_0 : i32, i32
  }
  func.func @transform_1(%arg0: i32) -> (i32, i32) {
    %c0_i32 = arith.constant 0 : i32
    %c0_i32_0 = arith.constant 0 : i32
    %c0_i32_1 = arith.constant 0 : i32
    return %c0_i32, %c0_i32_0 : i32, i32
  }
  func.func @transform_2(%arg0: i32) -> (i32, i32) {
    %c0_i32 = arith.constant 0 : i32
    %c0_i32_0 = arith.constant 0 : i32
    return %arg0, %c0_i32 : i32, i32
  }
}

module attributes {stable_mosaic.version = 14 : i64} {
  func.func @_comb_body(%arg0: i32, %arg1: memref<1x1024x128xf32, #tpu.memory_space<vmem>>, %arg2: memref<1x1024x128xf32, #tpu.memory_space<vmem>>, %arg3: memref<32x1024xf32, #tpu.memory_space<vmem>>, %arg4: memref<1024x128xf32, #tpu.memory_space<vmem>>, %arg5: memref<1024x2x128xf32, #tpu.memory_space<vmem>>) attributes {dimension_semantics = [#tpu.dimension_semantics<arbitrary>], iteration_bounds = array<i64: 10>, scalar_prefetch = 0 : i64, scratch_operands = 0 : i64, tpu.core_type = #tpu.core_type<tc>, window_params = [{transform_indices = @transform_0, window_bounds = array<i64: 1, 1024, 128>}, {transform_indices = @transform_1, window_bounds = array<i64: 1, 1024, 128>}, {transform_indices = @transform_2, window_bounds = array<i64: 32, 1024>}, {transform_indices = @transform_3, window_bounds = array<i64: 1024, 128>}, {transform_indices = @transform_4, window_bounds = array<i64: 1024, 2, 128>}]} {
    %get3A = arith.constant 0 : index
    %get3A_0 = arith.constant 0 : index
    %get3A_1 = arith.constant 0 : index
    %get3A_2 = vector.load %arg1[%get3A, %get3A_0, %get3A_1] : memref<1x1024x128xf32, #tpu.memory_space<vmem>>, vector<1x1024x128xf32>
    %get3A_3 = vector.shape_cast %get3A_2 : vector<1x1024x128xf32> to vector<1024x128xf32>
    %get3A_4 = arith.constant 0 : index
    %get3A_5 = arith.constant 0 : index
    %get3A_6 = arith.constant 0 : index
    %get3A_7 = vector.load %arg2[%get3A_4, %get3A_5, %get3A_6] : memref<1x1024x128xf32, #tpu.memory_space<vmem>>, vector<1x1024x128xf32>
    %get3A_8 = vector.shape_cast %get3A_7 : vector<1x1024x128xf32> to vector<1024x128xf32>
    %add3A = arith.addf %get3A_3, %get3A_8 : vector<1024x128xf32>
    %get3A_9 = arith.constant 0 : index
    %get3A_10 = arith.constant 0 : index
    %get3A_11 = vector.load %arg3[%get3A_9, %get3A_10] : memref<32x1024xf32, #tpu.memory_space<vmem>>, vector<32x1024xf32>
    %reduce_sum3A = arith.constant dense<0.000000e+00> : vector<1024xf32>
    %reduce_sum3A_12 = vector.multi_reduction <add>, %get3A_11, %reduce_sum3A [0] : vector<32x1024xf32> to vector<1024xf32>
    %max3A = arith.constant 1.000000e+00 : f32
    %max3A_13 = vector.broadcast %max3A : f32 to vector<1024xf32>
    %max3A_14 = arith.maximumf %reduce_sum3A_12, %max3A_13 : vector<1024xf32>
    %broadcast_in_dim3A = vector.shape_cast %max3A_14 : vector<1024xf32> to vector<1024x1xf32>
    %div3A = vector.broadcast %broadcast_in_dim3A : vector<1024x1xf32> to vector<1024x128xf32>
    %div3A_15 = arith.divf %add3A, %div3A : vector<1024x128xf32>
    %get3A_16 = arith.constant 0 : index
    %get3A_17 = arith.constant 0 : index
    %get3A_18 = vector.load %arg4[%get3A_16, %get3A_17] : memref<1024x128xf32, #tpu.memory_space<vmem>>, vector<1024x128xf32>
    %swap3A = arith.constant 0 : index
    %swap3A_19 = arith.constant 0 : index
    %swap3A_20 = arith.constant 0 : index
    %swap3A_21 = vector.load %arg5[%swap3A, %swap3A_19, %swap3A_20] : memref<1024x2x128xf32, #tpu.memory_space<vmem>>, vector<1024x1x128xf32>
    %swap3A_22 = vector.shape_cast %swap3A_21 : vector<1024x1x128xf32> to vector<1024x128xf32>
    %swap3A_23 = vector.shape_cast %get3A_18 : vector<1024x128xf32> to vector<1024x1x128xf32>
    tpu.vector_store %arg5[%swap3A, %swap3A_19, %swap3A_20], %swap3A_23 {strides = array<i32>} : memref<1024x2x128xf32, #tpu.memory_space<vmem>>, vector<1024x1x128xf32>,
    %swap3A_24 = arith.constant 0 : index
    %swap3A_25 = arith.constant 1 : index
    %swap3A_26 = arith.constant 0 : index
    %swap3A_27 = vector.load %arg5[%swap3A_24, %swap3A_25, %swap3A_26] : memref<1024x2x128xf32, #tpu.memory_space<vmem>>, vector<1024x1x128xf32>
    %swap3A_28 = vector.shape_cast %swap3A_27 : vector<1024x1x128xf32> to vector<1024x128xf32>
    %swap3A_29 = vector.shape_cast %div3A_15 : vector<1024x128xf32> to vector<1024x1x128xf32>
    tpu.vector_store %arg5[%swap3A_24, %swap3A_25, %swap3A_26], %swap3A_29 {strides = array<i32>} : memref<1024x2x128xf32, #tpu.memory_space<vmem>>, vector<1024x1x128xf32>,
    return
  }
  func.func @transform_0(%arg0: i32) -> (i32, i32, i32) {
    %c0_i32 = arith.constant 0 : i32
    %c0_i32_0 = arith.constant 0 : i32
    %c0_i32_1 = arith.constant 0 : i32
    return %c0_i32, %arg0, %c0_i32_0 : i32, i32, i32
  }
  func.func @transform_1(%arg0: i32) -> (i32, i32, i32) {
    %c1_i32 = arith.constant 1 : i32
    %c0_i32 = arith.constant 0 : i32
    %c0_i32_0 = arith.constant 0 : i32
    return %c1_i32, %arg0, %c0_i32 : i32, i32, i32
  }
  func.func @transform_2(%arg0: i32) -> (i32, i32) {
    %c0_i32 = arith.constant 0 : i32
    %c0_i32_0 = arith.constant 0 : i32
    return %c0_i32, %arg0 : i32, i32
  }
  func.func @transform_3(%arg0: i32) -> (i32, i32) {
    %c0_i32 = arith.constant 0 : i32
    %c0_i32_0 = arith.constant 0 : i32
    return %arg0, %c0_i32 : i32, i32
  }
  func.func @transform_4(%arg0: i32) -> (i32, i32, i32) {
    %c0_i32 = arith.constant 0 : i32
    %c0_i32_0 = arith.constant 0 : i32
    %c0_i32_1 = arith.constant 0 : i32
    return %arg0, %c0_i32, %c0_i32_0 : i32, i32, i32
  }
}

</mosaic_0001>

<sc_bundles>
// kernel: kernel.5.cloned.1.call-start
scs
__scs_entry_jumppad:
0x0: {  	(pc) =	sbr.rel $0x88, $3  }
0x1: {  	(tag) =	ssettag $0x0;
	lr =	simm.s32 $0x1  }
0x2: {  	[smem:$0x3F9C] =	sst lr;
	_ =	strace $0xD0000000  }
0x3: {  	_ = 	snop  }
0x4: {  	_ = 	snop  }
0x5: {  	_ = 	snop  }
0x6: {  	_ = 	snop  }
0x7: {  	_ = 	snop  }
__scs_overlays_trampoline_lowered:
0x8: {  	[smem:$0x3FAB] =	sst s0  }
0x9: {  	[smem:$0x3FAC] =	sst s1  }
0xa: {  	[smem:$0x3FAD] =	sst s2  }
0xb: {  	[smem:$0x3FAE] =	sst s3  }
0xc: {  	[smem:$0x3FAF] =	sst s4  }
0xd: {  	[smem:$0x3FB0] =	sst s5  }
0xe: {  	[smem:$0x3FB1] =	sst s6  }
0xf: {  	[smem:$0x3FB2] =	sst s7  }
0x10: {  	[smem:$0x3FB3] =	sst s8  }
0x11: {  	[smem:$0x3FB4] =	sst s9;
	s0 =	simm.s32 @!p0 $0x0  }
0x12: {  	s1 =	sld [smem:$0x3F9A];
	s0 =	simm.s32 @p0 $0x1  }
0x13: {  	[smem:$0x3FB5] =	sst s0;
	s0 =	simm.s32 @!p1 $0x0  }
0x14: {  	s2 =	sld [smem:$0x3F99];
	s0 =	simm.s32 @p1 $0x1  }
0x15: {  	[smem:$0x3FB6] =	sst s0;
	s0 =	simm.s32 @!p2 $0x0  }
0x16: {  	s3 =	sld [smem:$0x3FDB];
	s0 =	simm.s32 @p2 $0x1  }
0x17: {  	s4 =	simm.s32 $0x1BF5;
	[smem:$0x3FB8] =	sst s0  }
0x18: {  	s0 =	sld [smem:$0x3F9B];
	_ =	swait.ge [sflag:s4], $0x0  }
0x19: {  	s7 =	sld [smem:$0x3F9C]  }
0x1a: {  	s8 =	sadd.s32 $0xFFFFE003, lr  }
0x1b: {  	s9 =	sadd.s32 $0xFFFFFEF7, lr;
	s5 =	simm.s32 $0xFFFFFFFF;
	p2 =	slt.u32 s8, $0xFFFFF086  }
0x1c: {  	p1 =	slt.u32 s9, $0xF7A;
	s5 =	simm.s32 @!p2 $0x0  }
0x1d: {  	s5 =	simm.s32 @p1 $0x1;
	p0 =	seq.s32 s7, s2  }
0x1e: {  	s7 =	smul.u32 @!p0 $0xF7A, s2;
	p2 =	seq.s32 @!p0 s5, $0x0  }
0x1f: {  	s9 =	smul.u32 $0xF7A, s1;
	s8 =	simm.s32 @!p0 $0x1BF5;
	p2 =	por !p2, p0  }
0x20: {  	[sflag:s8] =	ssyncset.s32 @!p0 $0xFFFFF086;
	s6 =	sadd.s32 @!p0 s3, s7;
	s7 =	simm.s32 @!p0 $0x108  }
0x21: {  	s3 =	sadd.s32 s3, s9;
	s6 =	sadd.s32 @!p0 $0x88, s6;
	s7 =	simm.s32 @p2 $0x1082  }
0x22: {  	[simem:s7], [sflag:s8] =	dma.local @!p0 [hbm:s6], $0xF7A  }
0x23: {  	s9 =	sor.u32 $0xD0000000, s2;
	s6 =	simm.s32 $0x108;
	_ =	swait.ge @!p0 [sflag:s8], $0x0  }
0x24: {  	s3 =	sadd.s32 $0x88, s3;
	s6 =	simm.s32 @!p1 $0x1082;
	[sflag:s4] =	ssyncset.s32 $0xFFFFF086  }
0x25: {  	[simem:s6], [sflag:s4] =	dma.local [hbm:s3], $0xF7A  }
0x26: {  	[smem:$0x3F9C] =	sst s1;
	(tag) =	ssettag s2;
	_ =	strace s9  }
0x27: {  	s1 =	sld [smem:$0x3FAC]  }
0x28: {  	s2 =	sld [smem:$0x3FAD]  }
0x29: {  	s4 =	sld [smem:$0x3FAF]  }
0x2a: {  	p0 =	seq.s32 s5, $0x0;
	s5 =	sld [smem:$0x3FB0]  }
0x2b: {  	s6 =	sld [smem:$0x3FB1]  }
0x2c: {  	s7 =	sld [smem:$0x3FB2]  }
0x2d: {  	s3 =	simm.s32 $0x108;
	s8 =	sld [smem:$0x3FB3]  }
0x2e: {  	s3 =	simm.s32 @!p0 $0x1082;
	s9 =	sld [smem:$0x3FB4]  }
0x2f: {  	lr =	sadd.s32 s0, s3;
	s0 =	sld [smem:$0x3FAB]  }
0x30: {  	s3 =	sld [smem:$0x3FAE]  }
0x31: {  	[smem:$0x3FB7] =	sst s10  }
0x32: {  	s10 =	sld [smem:$0x3FB5];
	_ =	sdelay $0x3  }
0x33: {  	p0 =	seq.s32 s10, $0x1;
	s10 =	sld [smem:$0x3FB7];
	_ =	sdelay $0x3  }
0x34: {  	[smem:$0x3FB7] =	sst s10  }
0x35: {  	s10 =	sld [smem:$0x3FB6];
	_ =	sdelay $0x3  }
0x36: {  	p1 =	seq.s32 s10, $0x1;
	s10 =	sld [smem:$0x3FB7];
	_ =	sdelay $0x3  }
0x37: {  	[smem:$0x3FB7] =	sst s10  }
0x38: {  	s10 =	sld [smem:$0x3FB8]  }
0x39: {  	_ = 	snop;
	(pc) =	sbr.ind lr, $3  }
0x3a: {  	_ = 	snop  }
0x3b: {  	_ = 	snop  }
0x3c: {  	p2 =	seq.s32 s10, $0x1;
	s10 =	sld [smem:$0x3FB7]  }
0x3d: {  	_ =	shalt  }
0x3e: {  	_ =	shalt  }
0x3f: {  	_ =	shalt  }
0x40: {  	_ =	shalt  }
0x41: {  	_ =	shalt  }
0x42: {  	_ =	shalt  }
0x43: {  	_ =	shalt  }
0x44: {  	_ =	shalt  }
0x45: {  	_ =	shalt  }
0x46: {  	_ =	shalt  }
0x47: {  	_ =	shalt  }
0x48: {  	_ =	shalt  }
0x49: {  	_ =	shalt  }
0x4a: {  	_ =	shalt  }
0x4b: {  	_ =	shalt  }
0x4c: {  	_ =	shalt  }
0x4d: {  	_ =	shalt  }
0x4e: {  	_ =	shalt  }
0x4f: {  	_ =	shalt  }
0x50: {  	_ =	shalt  }
0x51: {  	_ =	shalt  }
0x52: {  	_ =	shalt  }
0x53: {  	_ =	shalt  }
0x54: {  	_ =	shalt  }
0x55: {  	_ =	shalt  }
0x56: {  	_ =	shalt  }
0x57: {  	_ =	shalt  }
0x58: {  	_ =	shalt  }
0x59: {  	_ =	shalt  }
0x5a: {  	_ =	shalt  }
0x5b: {  	_ =	shalt  }
0x5c: {  	_ =	shalt  }
0x5d: {  	_ =	shalt  }
0x5e: {  	_ =	shalt  }
0x5f: {  	_ =	shalt  }
0x60: {  	_ =	shalt  }
0x61: {  	_ =	shalt  }
0x62: {  	_ =	shalt  }
0x63: {  	_ =	shalt  }
0x64: {  	_ =	shalt  }
0x65: {  	_ =	shalt  }
0x66: {  	_ =	shalt  }
0x67: {  	_ =	shalt  }
0x68: {  	_ =	shalt  }
0x69: {  	_ =	shalt  }
0x6a: {  	_ =	shalt  }
0x6b: {  	_ =	shalt  }
0x6c: {  	_ =	shalt  }
0x6d: {  	_ =	shalt  }
0x6e: {  	_ =	shalt  }
0x6f: {  	_ =	shalt  }
0x70: {  	_ =	shalt  }
0x71: {  	_ =	shalt  }
0x72: {  	_ =	shalt  }
0x73: {  	_ =	shalt  }
0x74: {  	_ =	shalt  }
0x75: {  	_ =	shalt  }
0x76: {  	_ =	shalt  }
0x77: {  	_ =	shalt  }
0x78: {  	_ =	shalt  }
0x79: {  	_ =	shalt  }
0x7a: {  	_ =	shalt  }
0x7b: {  	_ =	shalt  }
0x7c: {  	_ =	shalt  }
0x7d: {  	_ =	shalt  }
0x7e: {  	_ =	shalt  }
0x7f: {  	_ =	shalt  }
0x80: {  	_ =	shalt  }
0x81: {  	_ =	shalt  }
0x82: {  	_ =	shalt  }
0x83: {  	_ =	shalt  }
0x84: {  	_ =	shalt  }
0x85: {  	_ =	shalt  }
0x86: {  	_ =	shalt  }
0x87: {  	_ =	shalt  }
.Lfunc_end0:
.L_simem_size_0:
called_computation_lowered:
.L_overlay_start_0:
0x88: {  	s2 =	sld [smem:$0x3FD9]  }
0x89: {  	s3 =	sld [smem:$0x3FFE];
	_ =	sdelay $0x1  }
0x8a: {  	s1 =	srdreg.scid  }
0x8b: {  	s0 =	sand.u32 $0x1, s1  }
0x8c: {  	s17 =	sshll.u32 s0, $0xA;
	s2 =	sadd.s32 s3, s2  }
0x8d: {  	s2 =	sadd.s32 s2, s17  }
0x8e: {  	[smem:$0x3FC3] =	sst s2  }
0x8f: {  	_ = 	snop  }
0x90: {  	s2 =	sld [smem:$0x3FC5]  }
0x91: {  	s18 =	sld [smem:$0x3FD0];
	(tm) =	ssettm $0x1  }
0x92: {  	s4 =	sld [smem:$0x3FFB];
	_ =	sdelay $0x3  }
0x93: {  	_ =	strace s4  }
0x94: {  	s4 =	sld [smem:$0x3FFC];
	_ =	sdelay $0x3  }
0x95: {  	_ =	strace s4  }
0x96: {  	s4 =	sld [smem:$0x3FFD];
	_ =	sdelay $0x3  }
0x97: {  	_ =	strace s4  }
0x98: {  	_ =	strace $0x8FFFFFFF  }
0x99: {  	s19 =	sld [smem:$0x3FDB];
	_ =	sdelay $0x1  }
0x9a: {  	s5 =	simm.s32 $_scs_section_size  }
0x9b: {  	s6 =	simm.s32 $_size__tile_overlayer_lowered;
	s7 =	simm.s32 $_tile_overlayer_lowered  }
0x9c: {  	s22 =	simm.s32 $0x1BFF;
	s21 =	sshll.u32 s7, $0x1;
	s4 =	sadd.s32 s5, s19  }
0x9d: {  	s8 =	simm.s32 $0x0;
	s20 =	sshll.u32 s6, $0x1;
	s6 =	sadd.s32 s21, s4  }
0x9e: {  	[timem:s8], [sflag:s22] =	dma.local [hbm:s6], s20  }
0x9f: {  	_ =	swait.ge [sflag:s22], s20  }
0xa0: {  	s5 =	ssub.s32 $0x0, s20;
	[sflag:s22] =	ssyncset.done $0x0  }
0xa1: {  	[sflag:s22] =	ssyncadd.s32 s5;
	_ =	sdelay $0x1  }
0xa2: {  	s23 =	simm.s32 $0x1B8B  }
0xa3: {  	_ =	swait.ge [sflag:s23], $0x1  }
0xa4: {  	[sflag:s23] =	ssyncset.done $0x0  }
0xa5: {  	s25 =	simm.s32 $0x1B8E;
	s24 =	sld [smem:$0x3FFE];
	[sflag:s23] =	ssyncadd.s32 $0xFFFFFFFF  }
0xa6: {  	s26 =	simm.s32 $execute0_lowered;
	[smem:$0x3FD2] =	sst s25  }
0xa7: {  	s6 =	sshll.u32 s26, $0x1;
	_ =	strace $0x80000046;
	[dreg:$0x1] =	wrdreg $0xFFFFFFFF  }
0xa8: {  	s28 =	simm.s32 $_size_execute0_lowered;
	s4 =	sadd.s32 s4, s6;
	[dreg:$0x0] =	wrdreg $0x0  }
0xa9: {  	s6 =	sshll.u32 s28, $0x1;
	[dreg:$0x2] =	wrdreg s4  }
0xaa: {  	[dreg:$0x3] =	wrdreg s6  }
0xab: {  	[dreg:$0x4] =	wrdreg $0xC0  }
0xac: {  	_ =	task [dreg:s8], $0x5FFFF  }
0xad: {  	[dreg:$0x1] =	wrdreg $0xFFFFFFFF  }
0xae: {  	[dreg:$0x0] =	wrdreg $0x60  }
0xaf: {  	[dreg:$0x2] =	wrdreg s18  }
0xb0: {  	[dreg:$0x3] =	wrdreg s24  }
0xb1: {  	[dreg:$0x4] =	wrdreg s2  }
0xb2: {  	[dreg:$0x5] =	wrdreg $0x0  }
0xb3: {  	[dreg:$0x6] =	wrdreg $0x9  }
0xb4: {  	_ =	task.clear_ibuf [dreg:s8], $0x7FFFF;
	_ =	strace $0x90000046  }
0xb5: {  	s29 =	simm.s32 $0x9;
	_ =	strace $0x80000048  }
0xb6: {  	_ =	swait.ge [sflag:s29], $0x1  }
0xb7: {  	[sflag:s29] =	ssyncadd.s32 $0xFFFFFFFF  }
0xb8: {  	_ =	strace $0x90000048  }
0xb9: {  	_ =	sfence  }
0xba: {  	s30 =	sld [smem:$0x0];
	_ =	sdelay $0x2  }
0xbb: {  	s31 =	sshll.u32 s1, $0xD;
	s1 =	sshrl.u32 s1, $0x2  }
0xbc: {  	s3 =	sand.u32 $0x4000, s31;
	s1 =	sadd.s32 s1, s30  }
0xbd: {  	s0 =	sor.u32 s3, s0;
	s1 =	sshll.u32 s1, $0x11  }
0xbe: {  	s0 =	sor.u32 s1, s0  }
0xbf: {  	s0 =	sadd.s32 $0x8F2B, s0  }
0xc0: {  	[sflag:s0] =	ssyncadd.remote.s32 $0x1  }
0xc1: {  	_ =	sfence.sel $0xFFFF  }
0xc2: {  	[dreg:$0x0] =	wrdreg $0xFFFFFFFF;
	(pc) =	sbr.abs _section_cstart, $3  }
0xc3: {  	[dreg:$0x1] =	wrdreg $0xFFFFFFFF  }
0xc4: {  	_ =	task.clear_ibuf [dreg:s8], $0x2FFFF;
	_ =	strace $0x9FFFFFFF  }
0xc5: {  	(tm) =	ssettm $0x7FFFFFFF  }
tec
execute0_lowered:
.L_overlay_start_1:
0x0: {  	(tag) =	ssettag $0x1  }
0x1: {  	s1 =	rddreg [dreg:$0x0]  }
0x2: {  	s0 =	rddreg [dreg:$0x1];
	s15 =	stileid.u32  }
0x3: {  	s2 =	srdreg.scid;
	s9 =	smul.u32 $0x14000, s15  }
0x4: {  	s3 =	rddreg [dreg:$0x2];
	s2 =	sand.u32 $0x1, s2;
	s23 =	smul.u32 $0x50000, s15  }
0x5: {  	s5 =	sshll.u32 s15, $0x1;
	s10 =	sshrl.u32 s15, $0x2;
	s15 =	smul.u32 $0x5000, s15  }
0x6: {  	s4 =	rddreg [dreg:$0x3];
	s8 =	smul.u32 $0x140000, s2  }
0x7: {  	s28 =	simm.s32 $0x4;
	s29 =	simm.s32 $0x14580;
	s10 =	smul.u32 $0x14000, s10  }
0x8: {  	s6 =	sor.u32 s2, s5;
	s22 =	ssub.s32 $0x2, s2;
	s2 =	smul.u32 $0x2800, s2  }
0x9: {  	s30 =	simm.s32 $0x14000;
	s31 =	simm.s32 $0x14200;
	s7 =	smul.u32 $0x28, s6  }
0xa: {  	s11 =	sadd.s32 $0xC00, s0;
	s5 =	simm.s32 $0x0;
	s24 =	smul.u32 $0x2800, s6  }
0xb: {  	s13 =	sadd.s32 $0xB200, s0;
	[smem:$0x7FF] =	sst s5;
	s26 =	smul.u32 $0x1400, s6  }
0xc: {  	s12 =	sshll.u32 s6, $0x7;
	s14 =	sshrl.u32 s22, $0x1;
	s6 =	smul.u32 $0xA000, s6  }
0xd: {  	_ =	strace $0x80000047;
	s8 =	sadd.s32 s9, s8;
	s21 =	sand.u32 $0x380, s12  }
0xe: {  	s12 =	sshrl.u32 s23, $0x2;
	s2 =	sadd.s32 s2, s15;
	s15 =	simm.s32 $0x14400  }
0xf: {  	s7 =	sadd.s32 s7, s0;
	s8 =	sshrl.u32 s8, $0x3;
	s9 =	sor.u32 s10, s21  }
0x10: {  	s10 =	ssub.s32 s22, s14;
	s14 =	sshrl.u32 s24, $0x3;
	s6 =	sshrl.u32 s6, $0x3  }
0x11: {  	s2 =	sor.u32 $0x180, s2;
	s9 =	sshrl.u32 s9, $0x3;
	s7 =	sadd.s32 $0xAC00, s7  }
0x12: {  	s8 =	sadd.s32 s8, s0;
	s18 =	sadd.s32 s11, s14;
	[dreg:$0x5] =	wrdreg s7  }
0x13: {  	s19 =	sadd.s32 s13, s14;
	s20 =	sor.u32 $0x10, s14;
	[dreg:$0xa] =	wrdreg s18  }
0x14: {  	s23 =	sor.u32 $0x20, s14;
	[dreg:$0xb] =	wrdreg s19;
	s21 =	sadd.s32 s11, s20  }
0x15: {  	s2 =	sshrl.u32 s2, $0x3;
	s22 =	sadd.s32 s13, s20;
	[dreg:$0xc] =	wrdreg s21  }
0x16: {  	s7 =	sadd.s32 s12, s4;
	s24 =	sadd.s32 s11, s23;
	[dreg:$0xd] =	wrdreg s22  }
0x17: {  	s9 =	sadd.s32 s9, s0;
	s12 =	sadd.s32 $0x4000, s7;
	[dreg:$0xf] =	wrdreg s24  }
0x18: {  	s0 =	sadd.s32 $0x15200, s0;
	s25 =	sadd.s32 $0x8000, s7;
	[dreg:$0x6] =	wrdreg s12  }
0x19: {  	s16 =	sadd.s32 $0xC000, s7;
	s17 =	sadd.s32 $0x10000, s7;
	[dreg:$0x7] =	wrdreg s25  }
0x1a: {  	s24 =	sadd.s32 $0x3D200, s9;
	s9 =	simm.s32 $0x1C580;
	[dreg:$0x8] =	wrdreg s16  }
0x1b: {  	[dreg:$0x9] =	wrdreg s17;
	s12 =	sadd.s32 s0, s26;
	s0 =	sadd.s32 s0, s6  }
0x1c: {  	s6 =	sadd.s32 s13, s23;
	s25 =	sadd.s32 s2, s13;
	s16 =	sadd.s32 s2, s11  }
0x1d: {  	s23 =	sadd.s32 $0x47200, s8;
	s2 =	simm.s32 $0x3;
	[dreg:$0xe] =	wrdreg s12  }
0x1e: {  	s8 =	simm.s32 $0x18580;
	s11 =	simm.s32 $0x2;
	[dreg:$0x10] =	wrdreg s6  }
0x1f: {  	[dreg:$0x11] =	wrdreg s25;
	s26 =	sadd.s32 $0x800, s0;
	s22 =	sadd.s32 $0x1000, s0  }
0x20: {  	s25 =	smax.u32 s10, $0x1;
	s0 =	simm.s32 $0x14080;
	s6 =	simm.s32 $0x80  }
0x21: {  	v0 =	vimm.f32 $0.0e+00;
	v1 =	vimm.f32 $1.000000000e+00;
	s10 =	simm.s32 $0x1;
	s12 =	simm.s32 $0x0;
	[dreg:$0x12] =	wrdreg s26  }
.LBB2_1:
0x22: {  	s13 =	rddreg [dreg:$0x5]  }
0x23: {  	[tilespmem:s15], [sflag:$0x4] =	stream.linear.gather [hbm4b:s13+s5], $0x140, $0x38;
	[tilespmem:$0x1ED80] =	vst v63  }
0x24: {  	_ =	swait.ge [sflag:s28], $0x140  }
0x25: {  	[sflag:s28] =	ssyncset.done $0x0  }
0x26: {  	s13 =	simm.s32 $0x0;
	[sflag:s28] =	ssyncadd.s32 $0xFFFFFEC0  }
.LBB2_2:
0x27: {  	p0 =	sne.s32 s13, $0x9FC0  }
.Ltmp0:
0x28: {  	_ = 	snop;
	(pc) =	sbr.rel @p0 .LBB2_2-.Ltmp0, $3  }
0x29: {  	_ =	sdelay $0x1  }
0x2a: {  	s14 =	sshra.s32 s13, $0x2  }
0x2b: {  	s13 =	sadd.s32 $0x40, s13;
	[tilespmem:s14+$0x1C580] =	vst v0  }
0x2c: {  	s13 =	simm.s32 $0x0;
	s14 =	simm.s32 $0x200  }
.LBB2_4:
0x2d: {  	p0 =	sne.s32 s14, $0xFE00;
	[tilespmem:s13+$0x145F0] =	vst v0  }
0x2e: {  	[tilespmem:s13+$0x14580] =	vst v0  }
0x2f: {  	[tilespmem:s13+$0x14590] =	vst v0  }
.Ltmp1:
0x30: {  	[tilespmem:s13+$0x145A0] =	vst v0;
	(pc) =	sbr.rel @p0 .LBB2_4-.Ltmp1, $4  }
0x31: {  	[tilespmem:s13+$0x145B0] =	vst v0  }
0x32: {  	[tilespmem:s13+$0x145C0] =	vst v0  }
0x33: {  	[tilespmem:s13+$0x145D0] =	vst v0  }
0x34: {  	[tilespmem:s13+$0x145E0] =	vst v0;
	s13 =	sshra.s32 s14, $0x2;
	s14 =	sadd.s32 $0x200, s14  }
0x35: {  	[tilespmem:s13+$0x145F0] =	vst v0  }
0x36: {  	[tilespmem:s13+$0x14580] =	vst v0  }
0x37: {  	[tilespmem:s13+$0x14590] =	vst v0  }
0x38: {  	[tilespmem:s13+$0x145A0] =	vst v0  }
0x39: {  	[tilespmem:s13+$0x145B0] =	vst v0  }
0x3a: {  	[tilespmem:s13+$0x145C0] =	vst v0  }
0x3b: {  	[tilespmem:s13+$0x145D0] =	vst v0  }
0x3c: {  	[tilespmem:s13+$0x145E0] =	vst v0  }
0x3d: {  	[spmem:s7] =	stream.linear.scatter [tilespmem:s29], [sflag:$0x4], $0x4000, $0x38;
	[tilespmem:$0x1ED80] =	vst v63  }
0x3e: {  	_ =	swait.ge [sflag:s28], $0x4000  }
0x3f: {  	[sflag:s28] =	ssyncset.done $0x0  }
0x40: {  	s20 =	rddreg [dreg:$0x6];
	[sflag:s28] =	ssyncadd.s32 $0xFFFFC000  }
0x41: {  	[spmem:s20] =	stream.linear.scatter [tilespmem:s29], [sflag:$0x4], $0x4000, $0x38;
	[tilespmem:$0x1ED80] =	vst v63  }
0x42: {  	_ =	swait.ge [sflag:s28], $0x4000  }
0x43: {  	[sflag:s28] =	ssyncset.done $0x0  }
0x44: {  	s21 =	rddreg [dreg:$0x7];
	[sflag:s28] =	ssyncadd.s32 $0xFFFFC000  }
0x45: {  	[spmem:s21] =	stream.linear.scatter [tilespmem:s29], [sflag:$0x4], $0x4000, $0x38;
	[tilespmem:$0x1ED80] =	vst v63  }
0x46: {  	_ =	swait.ge [sflag:s28], $0x4000  }
0x47: {  	[sflag:s28] =	ssyncset.done $0x0  }
0x48: {  	s26 =	rddreg [dreg:$0x8];
	[sflag:s28] =	ssyncadd.s32 $0xFFFFC000  }
0x49: {  	[spmem:s26] =	stream.linear.scatter [tilespmem:s29], [sflag:$0x4], $0x4000, $0x38;
	[tilespmem:$0x1ED80] =	vst v63  }
0x4a: {  	_ =	swait.ge [sflag:s28], $0x4000  }
0x4b: {  	[sflag:s28] =	ssyncset.done $0x0  }
0x4c: {  	s14 =	rddreg [dreg:$0x9];
	[sflag:s28] =	ssyncadd.s32 $0xFFFFC000  }
0x4d: {  	[spmem:s14] =	stream.linear.scatter [tilespmem:s29], [sflag:$0x4], $0x4000, $0x38;
	[tilespmem:$0x1ED80] =	vst v63  }
0x4e: {  	_ =	swait.ge [sflag:s28], $0x4000  }
0x4f: {  	[sflag:s28] =	ssyncset.done $0x0  }
0x50: {  	s15 =	rddreg [dreg:$0xa];
	[sflag:s28] =	ssyncadd.s32 $0xFFFFC000  }
0x51: {  	[tilespmem:s30], [sflag:$0x3] =	stream.linear.gather [hbm4b:s15+s5], $0x80, $0x38;
	[tilespmem:$0x1ED80] =	vst v63  }
0x52: {  	s17 =	rddreg [dreg:$0xb]  }
0x53: {  	[tilespmem:s31], [sflag:$0x3] =	stream.linear.gather [hbm4b:s17+s5], $0x80, $0x38;
	[tilespmem:$0x1ED80] =	vst v63  }
0x54: {  	_ =	swait.ge [sflag:s2], $0x80  }
0x55: {  	[sflag:s2] =	ssyncset.done $0x0  }
0x56: {  	[sflag:s2] =	ssyncadd.s32 $0xFFFFFF80  }
0x57: {  	_ =	swait.ge [sflag:s2], $0x80  }
0x58: {  	[sflag:s2] =	ssyncset.done $0x0  }
0x59: {  	s18 =	rddreg [dreg:$0xc];
	[sflag:s2] =	ssyncadd.s32 $0xFFFFFF80  }
0x5a: {  	[tilespmem:s0], [sflag:$0x3] =	stream.linear.gather [hbm4b:s18+s5], $0x80, $0x38;
	[tilespmem:$0x1ED80] =	vst v63  }
0x5b: {  	s14 =	simm.s32 $0x14280;
	s19 =	rddreg [dreg:$0xd]  }
0x5c: {  	[tilespmem:s14], [sflag:$0x3] =	stream.linear.gather [hbm4b:s19+s5], $0x80, $0x38;
	[tilespmem:$0x1ED80] =	vst v63  }
0x5d: {  	_ = 	snop  }
0x5e: {  	[tilespmem:s29], [sflag:$0x1] =	stream.indirect.gather [hbm4b:s1+s6], $0x80, s30, s6, $0xb8;
	[tilespmem:$0x1ED80] =	vst v63  }
0x5f: {  	s13 =	simm.s32 $0x1;
	[bflag:$0x0] =	sbarrier.arrive $0xFFFF  }
0x60: {  	_ =	swait.ge [sflag:s13], $0x4000  }
0x61: {  	[sflag:s13] =	ssyncset.done $0x0  }
0x62: {  	[sflag:s13] =	ssyncadd.s32 $0xFFFFC000  }
0x63: {  	_ =	swait.ge [sflag:s2], $0x80  }
0x64: {  	[sflag:s2] =	ssyncset.done $0x0  }
0x65: {  	[sflag:s2] =	ssyncadd.s32 $0xFFFFFF80  }
0x66: {  	_ =	swait.ge [sflag:s2], $0x80  }
0x67: {  	[sflag:s2] =	ssyncset.done $0x0  }
0x68: {  	[sflag:s2] =	ssyncadd.s32 $0xFFFFFF80  }
0x69: {  	[tilespmem:s8], [sflag:$0x1] =	stream.indirect.gather [hbm4b:s1+s6], $0x80, s0, s6, $0xb8;
	[tilespmem:$0x1ED80] =	vst v63  }
0x6a: {  	s15 =	simm.s32 $0x14100;
	s20 =	rddreg [dreg:$0xf]  }
0x6b: {  	[tilespmem:s15], [sflag:$0x3] =	stream.linear.gather [hbm4b:s20+s5], $0x80, $0x38;
	[tilespmem:$0x1ED80] =	vst v63  }
0x6c: {  	s26 =	simm.s32 $0x14300;
	s21 =	rddreg [dreg:$0x10]  }
0x6d: {  	[tilespmem:s26], [sflag:$0x3] =	stream.linear.gather [hbm4b:s21+s5], $0x80, $0x38;
	[tilespmem:$0x1ED80] =	vst v63  }
0x6e: {  	_ = 	snop  }
0x6f: {  	[spmem:s4] =	stream.indirect.scatter.add.f32 [tilespmem:s29], [sflag:$0x2], $0x80, s31, s6, $0xb8;
	[tilespmem:$0x1ED80] =	vst v63  }
0x70: {  	v2 =	vld [tilespmem:$0x14200];
	_ =	sdelay $0x7  }
0x71: {  	[tilespmem:v2+s9+$0x0] =	vst.idx.add.f32.msk $0xffff, v1  }
0x72: {  	v2 =	vld [tilespmem:$0x14210];
	_ =	sdelay $0x7  }
0x73: {  	[tilespmem:v2+s9+$0x0] =	vst.idx.add.f32.msk $0xffff, v1  }
0x74: {  	v2 =	vld [tilespmem:$0x14220];
	_ =	sdelay $0x7  }
0x75: {  	[tilespmem:v2+s9+$0x0] =	vst.idx.add.f32.msk $0xffff, v1  }
0x76: {  	v2 =	vld [tilespmem:$0x14230];
	_ =	sdelay $0x7  }
0x77: {  	[tilespmem:v2+s9+$0x0] =	vst.idx.add.f32.msk $0xffff, v1  }
0x78: {  	v2 =	vld [tilespmem:$0x14240];
	_ =	sdelay $0x7  }
0x79: {  	[tilespmem:v2+s9+$0x0] =	vst.idx.add.f32.msk $0xffff, v1  }
0x7a: {  	v2 =	vld [tilespmem:$0x14250];
	_ =	sdelay $0x7  }
0x7b: {  	[tilespmem:v2+s9+$0x0] =	vst.idx.add.f32.msk $0xffff, v1  }
0x7c: {  	v2 =	vld [tilespmem:$0x14260];
	_ =	sdelay $0x7  }
0x7d: {  	[tilespmem:v2+s9+$0x0] =	vst.idx.add.f32.msk $0xffff, v1  }
0x7e: {  	v2 =	vld [tilespmem:$0x14270];
	_ =	sdelay $0x6  }
0x7f: {  	s14 =	simm.s32 $0x180  }
0x80: {  	s19 =	rddreg [dreg:$0x11];
	s15 =	simm.s32 $0x400;
	s20 =	smov.u32 s16;
	[tilespmem:v2+s9+$0x0] =	vst.idx.add.f32.msk $0xffff, v1  }
.LBB2_6:
0x81: {  	_ =	swait.ge [sflag:s10], $0x4000  }
0x82: {  	[sflag:s10] =	ssyncset.done $0x0  }
0x83: {  	[sflag:s10] =	ssyncadd.s32 $0xFFFFC000  }
0x84: {  	_ =	swait.ge [sflag:s11], $0x4000  }
0x85: {  	[sflag:s11] =	ssyncset.done $0x0  }
0x86: {  	[sflag:s11] =	ssyncadd.s32 $0xFFFFC000  }
0x87: {  	_ =	swait.ge [sflag:s2], $0x80  }
0x88: {  	[sflag:s2] =	ssyncset.done $0x0  }
0x89: {  	s18 =	sand.u32 $0x1, s13;
	[sflag:s2] =	ssyncadd.s32 $0xFFFFFF80  }
0x8a: {  	s21 =	sand.u32 $0x600, s15;
	p0 =	sgt.u32 s13, $0x4D;
	_ =	swait.ge [sflag:s2], $0x80  }
0x8b: {  	s21 =	sshrl.u32 s21, $0x2;
	s18 =	sshll.u32 s18, $0xE;
	[sflag:s2] =	ssyncset.done $0x0  }
0x8c: {  	s21 =	sor.u32 $0x14000, s21;
	s26 =	ssub.s32 $0x18580, s18;
	[sflag:s2] =	ssyncadd.s32 $0xFFFFFF80  }
0x8d: {  	[tilespmem:s26], [sflag:$0x1] =	stream.indirect.gather [hbm4b:s1+s6], $0x80, s21, s6, $0xb8;
	[tilespmem:$0x1ED80] =	vst v63  }
0x8e: {  	s21 =	sand.u32 @!p0 $0x180, s14  }
0x8f: {  	s17 =	simm.s32 @!p0 $0x0;
	s26 =	sor.u32 @!p0 $0x14000, s21  }
0x90: {  	[tilespmem:s26], [sflag:$0x3] =	stream.linear.gather @!p0 [hbm4b:s20+s17], $0x80, $0x38;
	[tilespmem:$0x1ED80] =	vst v63  }
0x91: {  	s21 =	sor.u32 @!p0 $0x14200, s21  }
0x92: {  	[tilespmem:s21], [sflag:$0x3] =	stream.linear.gather @!p0 [hbm4b:s19+s17], $0x80, $0x38;
	[tilespmem:$0x1ED80] =	vst v63  }
0x93: {  	s21 =	sadd.s32 $0xFFFFFF00, s14  }
0x94: {  	s17 =	sand.u32 $0x180, s21  }
0x95: {  	s18 =	sadd.s32 $0x14580, s18;
	s26 =	sor.u32 $0x14200, s17  }
0x96: {  	[spmem:s4] =	stream.indirect.scatter.add.f32 [tilespmem:s18], [sflag:$0x2], $0x80, s26, s6, $0xb8;
	[tilespmem:$0x1ED80] =	vst v63  }
0x97: {  	v2 =	vld [tilespmem:s17+$0x14200];
	_ =	sdelay $0x7  }
0x98: {  	[tilespmem:v2+s9+$0x0] =	vst.idx.add.f32.msk $0xffff, v1  }
0x99: {  	v2 =	vld [tilespmem:s17+$0x14210];
	_ =	sdelay $0x7  }
0x9a: {  	[tilespmem:v2+s9+$0x0] =	vst.idx.add.f32.msk $0xffff, v1  }
0x9b: {  	v2 =	vld [tilespmem:s17+$0x14220];
	_ =	sdelay $0x7  }
0x9c: {  	[tilespmem:v2+s9+$0x0] =	vst.idx.add.f32.msk $0xffff, v1  }
0x9d: {  	v2 =	vld [tilespmem:s17+$0x14230];
	_ =	sdelay $0x7  }
0x9e: {  	[tilespmem:v2+s9+$0x0] =	vst.idx.add.f32.msk $0xffff, v1  }
0x9f: {  	v2 =	vld [tilespmem:s17+$0x14240];
	_ =	sdelay $0x7  }
0xa0: {  	[tilespmem:v2+s9+$0x0] =	vst.idx.add.f32.msk $0xffff, v1  }
0xa1: {  	v2 =	vld [tilespmem:s17+$0x14250];
	_ =	sdelay $0x7  }
0xa2: {  	[tilespmem:v2+s9+$0x0] =	vst.idx.add.f32.msk $0xffff, v1  }
0xa3: {  	v2 =	vld [tilespmem:s17+$0x14260];
	_ =	sdelay $0x7  }
0xa4: {  	[tilespmem:v2+s9+$0x0] =	vst.idx.add.f32.msk $0xffff, v1  }
0xa5: {  	v2 =	vld [tilespmem:s17+$0x14270];
	_ =	sdelay $0x1  }
0xa6: {  	s14 =	sadd.s32 $0x80, s14  }
0xa7: {  	p0 =	sne.s32 s14, $0x2880  }
.Ltmp2:
0xa8: {  	_ = 	snop;
	(pc) =	sbr.rel @p0 .LBB2_6-.Ltmp2, $3  }
0xa9: {  	_ =	sdelay $0x1  }
0xaa: {  	s15 =	sadd.s32 $0x200, s15  }
0xab: {  	s13 =	sadd.s32 $0x1, s13;
	s20 =	sadd.s32 $0x10, s20;
	s19 =	sadd.s32 $0x10, s19;
	[tilespmem:v2+s9+$0x0] =	vst.idx.add.f32.msk $0xffff, v1  }
0xac: {  	_ =	swait.ge [sflag:s10], $0x4000  }
0xad: {  	[sflag:s10] =	ssyncset.done $0x0  }
0xae: {  	[sflag:s10] =	ssyncadd.s32 $0xFFFFC000  }
0xaf: {  	_ =	swait.ge [sflag:s11], $0x4000  }
0xb0: {  	[sflag:s11] =	ssyncset.done $0x0  }
0xb1: {  	s13 =	simm.s32 $0x14380;
	[sflag:s11] =	ssyncadd.s32 $0xFFFFC000  }
0xb2: {  	[spmem:s4] =	stream.indirect.scatter.add.f32 [tilespmem:s8], [sflag:$0x2], $0x80, s13, s6, $0xb8;
	[tilespmem:$0x1ED80] =	vst v63  }
0xb3: {  	v2 =	vld [tilespmem:$0x14380];
	_ =	sdelay $0x7  }
0xb4: {  	[tilespmem:v2+s9+$0x0] =	vst.idx.add.f32.msk $0xffff, v1  }
0xb5: {  	v2 =	vld [tilespmem:$0x14390];
	_ =	sdelay $0x7  }
0xb6: {  	[tilespmem:v2+s9+$0x0] =	vst.idx.add.f32.msk $0xffff, v1  }
0xb7: {  	v2 =	vld [tilespmem:$0x143A0];
	_ =	sdelay $0x7  }
0xb8: {  	[tilespmem:v2+s9+$0x0] =	vst.idx.add.f32.msk $0xffff, v1  }
0xb9: {  	v2 =	vld [tilespmem:$0x143B0];
	_ =	sdelay $0x7  }
0xba: {  	[tilespmem:v2+s9+$0x0] =	vst.idx.add.f32.msk $0xffff, v1  }
0xbb: {  	v2 =	vld [tilespmem:$0x143C0];
	_ =	sdelay $0x7  }
0xbc: {  	[tilespmem:v2+s9+$0x0] =	vst.idx.add.f32.msk $0xffff, v1  }
0xbd: {  	v2 =	vld [tilespmem:$0x143D0];
	_ =	sdelay $0x7  }
0xbe: {  	[tilespmem:v2+s9+$0x0] =	vst.idx.add.f32.msk $0xffff, v1  }
0xbf: {  	v2 =	vld [tilespmem:$0x143E0];
	_ =	sdelay $0x7  }
0xc0: {  	[tilespmem:v2+s9+$0x0] =	vst.idx.add.f32.msk $0xffff, v1  }
0xc1: {  	v2 =	vld [tilespmem:$0x143F0];
	_ =	sdelay $0x7  }
0xc2: {  	[tilespmem:v2+s9+$0x0] =	vst.idx.add.f32.msk $0xffff, v1  }
0xc3: {  	_ =	swait.ge [sflag:s11], $0x4000  }
0xc4: {  	[sflag:s11] =	ssyncset.done $0x0  }
0xc5: {  	[sflag:s11] =	ssyncadd.s32 $0xFFFFC000  }
0xc6: {  	s15 =	simm.s32 $0x14400;
	[bflag:$0x0] =	sbarrier.arrive $0xFFFF  }
0xc7: {  	[tilespmem:s29], [sflag:$0x1] =	stream.indirect.gather [hbm4b:s3+s6], $0x80, s15, s6, $0xb8;
	[tilespmem:$0x1ED80] =	vst v63  }
0xc8: {  	_ =	swait.ge [sflag:s10], $0x4000  }
0xc9: {  	[sflag:s10] =	ssyncset.done $0x0  }
0xca: {  	s14 =	rddreg [dreg:$0xe];
	[sflag:s10] =	ssyncadd.s32 $0xFFFFC000  }
0xcb: {  	[hbm4b:s14+s5] =	stream.linear.scatter [tilespmem:s29], [sflag:$0x4], $0x4000, $0x38;
	[tilespmem:$0x1ED80] =	vst v63  }
0xcc: {  	_ =	swait.ge [sflag:s28], $0x4000  }
0xcd: {  	[sflag:s28] =	ssyncset.done $0x0  }
0xce: {  	s17 =	simm.s32 $0x14480;
	[sflag:s28] =	ssyncadd.s32 $0xFFFFC000  }
0xcf: {  	[tilespmem:s29], [sflag:$0x1] =	stream.indirect.gather [hbm4b:s3+s6], $0x80, s17, s6, $0xb8;
	[tilespmem:$0x1ED80] =	vst v63  }
0xd0: {  	_ =	swait.ge [sflag:s10], $0x4000  }
0xd1: {  	[sflag:s10] =	ssyncset.done $0x0  }
0xd2: {  	s18 =	rddreg [dreg:$0x12];
	[sflag:s10] =	ssyncadd.s32 $0xFFFFC000  }
0xd3: {  	[hbm4b:s18+s5] =	stream.linear.scatter [tilespmem:s29], [sflag:$0x4], $0x4000, $0x38;
	[tilespmem:$0x1ED80] =	vst v63  }
0xd4: {  	_ =	swait.ge [sflag:s28], $0x4000  }
0xd5: {  	[sflag:s28] =	ssyncset.done $0x0  }
0xd6: {  	s19 =	simm.s32 $0x40;
	s14 =	simm.s32 $0x14500;
	[sflag:s28] =	ssyncadd.s32 $0xFFFFC000  }
0xd7: {  	[tilespmem:s29], [sflag:$0x1] =	stream.indirect.gather [hbm4b:s3+s19], $0x80, s14, s19, $0xb8;
	[tilespmem:$0x1ED80] =	vst v63  }
0xd8: {  	_ =	swait.ge [sflag:s10], $0x2000  }
0xd9: {  	[sflag:s10] =	ssyncset.done $0x0  }
0xda: {  	[sflag:s10] =	ssyncadd.s32 $0xFFFFE000  }
0xdb: {  	[hbm4b:s22+s5] =	stream.linear.scatter [tilespmem:s29], [sflag:$0x4], $0x2000, $0x38;
	[tilespmem:$0x1ED80] =	vst v63  }
0xdc: {  	s20 =	stileid.u32;
	_ =	swait.ge [sflag:s28], $0x2000  }
0xdd: {  	s13 =	sshll.u32 s20, $0x6;
	[sflag:s28] =	ssyncset.done $0x0  }
0xde: {  	s21 =	sshrl.u32 s7, $0x3;
	s13 =	sor.u32 $0x1C04, s13;
	[sflag:s28] =	ssyncadd.s32 $0xFFFFE000  }
0xdf: {  	[hbm:s23], [sflag:s13] =	dma.local [spmem:s21], $0x2800  }
0xe0: {  	s12 =	sadd.s32 $0x1, s12;
	_ =	swait.ge [sflag:s28], $0x2800  }
0xe1: {  	p0 =	sne.s32 s12, s25;
	[sflag:s28] =	ssyncset.done $0x0  }
.Ltmp3:
0xe2: {  	s26 =	simm.s32 $0x400;
	[sflag:s28] =	ssyncadd.s32 $0xFFFFD800;
	(pc) =	sbr.rel @p0 .LBB2_1-.Ltmp3, $4  }
0xe3: {  	[hbm4b:s24+s6] =	stream.strided.scatter [tilespmem:s9], [sflag:$0x4], $0x2800, s26, s6, $0x38;
	[tilespmem:$0x1ED80] =	vst v63  }
0xe4: {  	_ =	swait.ge [sflag:s28], $0x2800  }
0xe5: {  	[sflag:s28] =	ssyncset.done $0x0  }
0xe6: {  	[sflag:s28] =	ssyncadd.s32 $0xFFFFD800  }
0xe7: {  	_ =	sfence.sel $0x180000  }
0xe8: {  	[bflag:$0x0] =	sbarrier.arrive $0xFFFF  }
0xe9: {  	_ =	strace $0x90000047  }
0xea: {  	s0 =	stileid.u32;
	[bflag:$0x2] =	sbarrier.arrive $0xFFFF  }
0xeb: {  	p0 =	sne.s32 s0, $0x0;
	s0 =	rddreg [dreg:$0x4]  }
0xec: {  	s0 =	sadd.s32 @!p0 $0x100000, s0  }
0xed: {  	[sflag:s0] =	ssyncadd.tile.s32 @!p0 $0x1;
	_ =	shalt  }
.Lfunc_end2:
_tile_overlayer_lowered:
.L_overlay_start_2:
0xee: {  	(tag) =	ssettag $0x2  }
0xef: {  	s0 =	rddreg [dreg:$0x0];
	s2 =	stileid.u32  }
0xf0: {  	s1 =	rddreg [dreg:$0x1];
	p0 =	sne.s32 s2, $0x0  }
0xf1: {  	s3 =	rddreg [dreg:$0x2];
	[bflag:$0x3] =	sbarrier.arrive $0xFFFF;
	s2 =	simm.s32 @!p0 $0x1C04  }
0xf2: {  	[timem:s3], [sflag:s2] =	dma.local @!p0 [hbm:s0], s1  }
0xf3: {  	s0 =	simm.s32 @!p0 $0x4  }
0xf4: {  	_ =	swait.ge @!p0 [sflag:s0], s1  }
0xf5: {  	s1 =	ssub.s32 @!p0 $0x0, s1;
	[sflag:s0] =	ssyncset.done @!p0 $0x0  }
0xf6: {  	[sflag:s0] =	ssyncadd.s32 @!p0 s1  }
0xf7: {  	[bflag:$0x3] =	sbarrier.arrive $0xFFFF  }
0xf8: {  	_ =	shalt  }

</sc_bundles>
